<compile_context>
chip_gen: v7x
topology: tpu7x:2x2x1
jax: 0.10.2.dev20260603
libtpu: 0.0.44.dev20260713+nightly
codegen_flags: <defaults>
</compile_context>

<pallas_src>
import functools

import jax
import jax.numpy as jnp
from jax import lax
from jax.experimental import pallas as pl
from jax.experimental.pallas import tpu as pltpu
from jax.experimental.pallas import tpu_sc as plsc

_B, _A, _GF, _S, _P, _BINS, _D = 32, 32, 64, 4096, 8, 512, 128
_NPS = _P * _S
_LANES = 16
_LN_EPS = 1e-5


def _tc_body(mvfte_ref, subs_ref, m1_ref, w1c_ref, w2c_ref, wsg2_ref,
             m2r_ref, swg_ref, c2s_ref, probs_ref):
    subs = subs_ref[0].astype(jnp.float32)
    full = jnp.dot(mvfte_ref[0], subs, preferred_element_type=jnp.float32)
    mu = jnp.dot(m1_ref[...], full,
                 preferred_element_type=jnp.float32)
    musq = jnp.dot(m1_ref[...], full * full,
                   preferred_element_type=jnp.float32)
    var = musq - mu * mu
    size = full[_GF:_GF + 1]
    r = lax.rsqrt(var + _LN_EPS * size * size)
    t = (full[:_GF] - mu) * r
    t_ext = jnp.concatenate([t, jnp.ones((8, _S), jnp.float32)], axis=0)
    x = jnp.maximum(jnp.dot(w1c_ref[...], t_ext,
                            preferred_element_type=jnp.float32), 0.0)
    x_ext = jnp.concatenate([x, jnp.ones((8, _S), jnp.float32)], axis=0)
    x = jnp.maximum(jnp.dot(w2c_ref[...], x_ext,
                            preferred_element_type=jnp.float32), 0.0)
    u = jnp.dot(wsg2_ref[...], x, preferred_element_type=jnp.float32)
    mu2 = jnp.dot(m2r_ref[...], x, preferred_element_type=jnp.float32)
    musq2 = jnp.dot(m2r_ref[...], x * x,
                    preferred_element_type=jnp.float32)
    var2 = musq2 - mu2 * mu2
    r2 = lax.rsqrt(var2 + _LN_EPS)
    scores = r2 * (u - mu2 * swg_ref[0, 0]) + c2s_ref[0, 0]
    m = jnp.max(scores)
    e = jnp.exp(scores - m)
    probs_ref[0] = e / jnp.sum(e)


def _tc_dense(mvfte, subs, m1, w1c, w2c, wsg2, m2r, swg, c2s):
    grid = (_B,)
    in_specs = [
        pl.BlockSpec((1, 72, _A), lambda b: (b, 0, 0)),
        pl.BlockSpec((1, _A, _S), lambda b: (b, 0, 0)),
        pl.BlockSpec((1, 72), lambda b: (0, 0)),
        pl.BlockSpec((_D, 72), lambda b: (0, 0)),
        pl.BlockSpec((_D, _D + 8), lambda b: (0, 0)),
        pl.BlockSpec((1, _D), lambda b: (0, 0)),
        pl.BlockSpec((1, _D), lambda b: (0, 0)),
        pl.BlockSpec((1, 1), lambda b: (0, 0)),
        pl.BlockSpec((1, 1), lambda b: (0, 0)),
    ]
    out_specs = pl.BlockSpec((1, 1, _S), lambda b: (b, 0, 0))
    out_shape = jax.ShapeDtypeStruct((_B, 1, _S), jnp.float32)
    return pl.pallas_call(
        _tc_body,
        grid=grid,
        in_specs=in_specs,
        out_specs=out_specs,
        out_shape=out_shape,
        compiler_params=pltpu.CompilerParams(
            dimension_semantics=("arbitrary",)),
    )(mvfte, subs, m1, w1c, w2c, wsg2, m2r, swg, c2s)


def _sc_body(peaks_hbm, probs_hbm, out_hbm, peaks_v, probs_v, hist_v, row_v):
    w = lax.axis_index("s") * 2 + lax.axis_index("c")
    pltpu.sync_copy(peaks_hbm.at[w], peaks_v)
    pltpu.sync_copy(probs_hbm.at[w], probs_v)

    zeros16 = jnp.zeros((_LANES,), jnp.float32)

    @plsc.parallel_loop(0, (_LANES * _BINS) // _LANES, 1, unroll=8)
    def _zero(i):
        hist_v[pl.ds(i * _LANES, _LANES)] = zeros16

    base = lax.iota(jnp.int32, _LANES) * _BINS

    @plsc.parallel_loop(0, _S // _LANES, 1, unroll=2)
    def _scatter(i):
        s0 = i * _LANES
        pr = probs_v[pl.ds(s0, _LANES)]
        row = (i >> 3) * 2
        col = (i & 7) * _LANES
        for p in range(_P):
            mf = peaks_v[p * 64 + row, pl.ds(col, _LANES)]
            iv = peaks_v[p * 64 + row + 1, pl.ds(col, _LANES)]
            mf = jnp.minimum(jnp.maximum(mf, 0.0), 511.0)
            idx = (mf + 0.5).astype(jnp.int32) + base
            plsc.addupdate_scatter(hist_v, [idx], iv * pr)

    @plsc.parallel_loop(0, _BINS // _LANES, 1, unroll=2)
    def _reduce(c):
        acc = hist_v[pl.ds(c * _LANES, _LANES)]
        for l in range(1, _LANES):
            acc = acc + hist_v[pl.ds(l * _BINS + c * _LANES, _LANES)]
        row_v[pl.ds(c * _LANES, _LANES)] = acc

    pltpu.sync_copy(row_v, out_hbm.at[w])


def _sc_hist(peaks_flat, probs2d):
    mesh = plsc.VectorSubcoreMesh(core_axis_name="c", subcore_axis_name="s")
    f = functools.partial(
        pl.kernel,
        out_type=jax.ShapeDtypeStruct((_B, _BINS), jnp.float32),
        mesh=mesh,
        scratch_types=[
            pltpu.VMEM((2 * _NPS // 128, 128), jnp.float32),
            pltpu.VMEM((_S,), jnp.float32),
            pltpu.VMEM((_LANES * _BINS,), jnp.float32),
            pltpu.VMEM((_BINS,), jnp.float32),
        ],
        compiler_params=pltpu.CompilerParams(needs_layout_passes=False),
    )(_sc_body)
    return f(peaks_flat, probs2d)


def kernel(vert_feat_in, vert_mask_in, vert_element_oh, adj_oh, atom_subsets,
           atom_subsets_peaks, ln1_g, ln1_b, W1, b1, W2, b2, ln2_g, ln2_b,
           Ws, bs):
    m2 = vert_mask_in * vert_mask_in
    top = jnp.transpose(vert_feat_in * m2[..., None], (0, 2, 1))
    mid = vert_mask_in[:, None, :]
    pad = jnp.zeros((_B, 72 - _GF - 1, _A), jnp.float32)
    mvfte = jnp.concatenate([top, mid, pad], axis=1)

    m1 = jnp.concatenate(
        [jnp.full((_GF,), 1.0 / _GF, jnp.float32),
         jnp.zeros((72 - _GF,), jnp.float32)]).reshape(1, 72)
    w1g = W1 * ln1_g[None, :]
    c1 = (W1 @ ln1_b + b1)[:, None]
    w1c = jnp.concatenate([w1g, c1, jnp.zeros((_D, 7), jnp.float32)], axis=1)
    w2c = jnp.concatenate([W2, b2[:, None], jnp.zeros((_D, 7), jnp.float32)],
                          axis=1)
    wsg2 = (Ws[0] * ln2_g).reshape(1, _D)
    m2r = jnp.full((1, _D), 1.0 / _D, jnp.float32)
    swg = jnp.sum(Ws[0] * ln2_g).reshape(1, 1)
    c2s = (jnp.sum(Ws[0] * ln2_b) + bs[0]).reshape(1, 1)

    peaks_flat = jnp.transpose(
        jnp.transpose(atom_subsets_peaks, (0, 2, 3, 1))
        .reshape(_B, _P, 2, _S // 128, 128),
        (0, 1, 3, 2, 4)).reshape(_B, 2 * _NPS // 128, 128)

    subs_t = jnp.transpose(atom_subsets, (0, 2, 1))
    probs = _tc_dense(mvfte, subs_t, m1, w1c, w2c, wsg2, m2r, swg, c2s)

    probs2d = probs.reshape(_B, _S)
    spect = _sc_hist(peaks_flat, probs2d)
    return (spect, probs2d)

# --- scband reference (transcript-rebuilt; emitter-appended) ---
"""Pipeline reference for scband-subsets-sample-weighted-71347996721713 (READ-ONLY COPY).

The authoritative reference and input builder live on the scoring server;
editing this copy changes nothing except your own understanding.
"""

import jax, jax.numpy as jnp
import numpy as np

B, A, GF, S, P, BINS, D = 32, 32, 64, 4096, 8, 512, 128


def _layernorm(x, g, b, eps=1e-5):
    mu = jnp.mean(x, axis=-1, keepdims=True)
    var = jnp.mean((x - mu) ** 2, axis=-1, keepdims=True)
    return (x - mu) / jnp.sqrt(var + eps) * g + b


def setup_inputs(seed: int = 0) -> dict:
    key = jax.random.key(seed)
    ks = jax.random.split(key, 14)
    vert_feat_in = jax.random.normal(ks[0], (B, A, GF), dtype=jnp.float32)
    vert_mask_in = jnp.ones((B, A), dtype=jnp.float32)
    vert_element_oh = jnp.zeros((B, A, 16), dtype=jnp.float32)
    adj_oh = jnp.zeros((B, A, A), dtype=jnp.float32)
    atom_subsets = jax.random.randint(ks[1], (B, S, A), 0, 2, dtype=jnp.int32)
    masses = jax.random.randint(ks[2], (B, S, P), 0, BINS, dtype=jnp.int32).astype(jnp.float32)
    inten = jax.random.uniform(ks[3], (B, S, P), dtype=jnp.float32)
    atom_subsets_peaks = jnp.stack([masses, inten], axis=-1)
    ln1_g = jnp.ones((GF,), jnp.float32)
    ln1_b = jnp.zeros((GF,), jnp.float32)
    W1 = jax.random.normal(ks[4], (D, GF), jnp.float32) * (1.0 / np.sqrt(GF))
    b1 = jnp.zeros((D,), jnp.float32)
    W2 = jax.random.normal(ks[5], (D, D), jnp.float32) * (1.0 / np.sqrt(D))
    b2 = jnp.zeros((D,), jnp.float32)
    ln2_g = jnp.ones((D,), jnp.float32)
    ln2_b = jnp.zeros((D,), jnp.float32)
    Ws = jax.random.normal(ks[6], (1, D), jnp.float32) * (1.0 / np.sqrt(D))
    bs = jnp.zeros((1,), jnp.float32)
    return {"vert_feat_in": vert_feat_in, "vert_mask_in": vert_mask_in,
            "vert_element_oh": vert_element_oh, "adj_oh": adj_oh,
            "atom_subsets": atom_subsets, "atom_subsets_peaks": atom_subsets_peaks,
            "ln1_g": ln1_g, "ln1_b": ln1_b, "W1": W1, "b1": b1,
            "W2": W2, "b2": b2, "ln2_g": ln2_g, "ln2_b": ln2_b,
            "Ws": Ws, "bs": bs}


def reference(vert_feat_in, vert_mask_in, vert_element_oh, adj_oh, atom_subsets,
              atom_subsets_peaks, ln1_g, ln1_b, W1, b1, W2, b2, ln2_g, ln2_b, Ws, bs):
    masked_vert_feat = vert_feat_in * vert_mask_in[..., None]
    subs = atom_subsets.astype(jnp.float32) * vert_mask_in[:, None, :]
    sample_weighted_vert_sum = jnp.einsum('ijk,ilj->ilk', masked_vert_feat, subs)
    subset_size = jnp.sum(subs, axis=2) + 0.0001
    sample_weighted_vert_mean = sample_weighted_vert_sum / subset_size[..., None]
    subset_normed = _layernorm(sample_weighted_vert_mean, ln1_g, ln1_b)
    x = jax.nn.relu(subset_normed @ W1.T + b1)
    x = jax.nn.relu(jax.nn.relu(x @ W2.T + b2))
    x = _layernorm(x, ln2_g, ln2_b)
    formulae_scores = (x @ Ws.T + bs)[..., 0]
    formulae_probs = jax.nn.softmax(formulae_scores, axis=-1)
    masses = jnp.clip(jnp.round(atom_subsets_peaks[..., 0]).astype(jnp.int32), 0, BINS - 1)
    vals = atom_subsets_peaks[..., 1] * formulae_probs[:, :, None]
    bidx = jnp.broadcast_to(jnp.arange(B)[:, None, None], masses.shape)
    spect_out = jnp.zeros((B, BINS), jnp.float32).at[bidx, masses].add(vals)
    return (spect_out, formulae_probs)

if __name__ == "__main__":
    import jax
    _d = setup_inputs()
    print(jax.jit(kernel)(*tuple(_d.values())))

</pallas_src>

<mosaic_0001>
#map = affine_map<(d0, d1) -> (0, 0, 0)>
#map1 = affine_map<(d0, d1) -> (0, 0)>
module attributes {stable_mosaic.version = 14 : i64} {
  func.func @_sc_body(%arg0: i32, %arg1: i32, %arg2: memref<32x512x128xf32, #tpu.memory_space<hbm>>, %arg3: memref<32x4096xf32, #tpu.memory_space<hbm>>, %arg4: memref<32x512xf32, #tpu.memory_space<hbm>>, %arg5: memref<512x128xf32, #tpu.memory_space<vmem>>, %arg6: memref<4096xf32, #tpu.memory_space<vmem>>, %arg7: memref<8192xf32, #tpu.memory_space<vmem>>, %arg8: memref<512xf32, #tpu.memory_space<vmem>>) attributes {dimension_semantics = [#tpu.dimension_semantics<core_parallel>, #tpu.dimension_semantics<subcore_parallel>], iteration_bounds = array<i64: 2, 16>, scalar_prefetch = 0 : i64, scratch_operands = 4 : i64, tpu.core_type = #tpu.core_type<sc_vector_subcore>, window_params = [{transform_indices = #map}, {transform_indices = #map1}, {transform_indices = #map1}]} {
    %mul3A = arith.constant 2 : i32
    %mul3A_0 = arith.muli %arg1, %mul3A : i32
    %add3A = arith.addi %mul3A_0, %arg0 : i32
    "tpu.region"() ({
      %run_scoped3A = tpu.sem_alloc : memref<!tpu.dma_semaphore, #tpu.memory_space<semaphore_mem>>
      %dma_start3A = arith.constant 0 : i32
      %dma_start3A_13 = arith.constant 0 : i32
      %dma_start3A_14 = tpu.memref_slice %arg2[%add3A, %dma_start3A, %dma_start3A_13] : memref<32x512x128xf32, #tpu.memory_space<hbm>> -> memref<1x512x128xf32, #tpu.memory_space<hbm>>
      %dma_start3A_15 = tpu.memref_squeeze %dma_start3A_14 : memref<1x512x128xf32, #tpu.memory_space<hbm>> -> memref<512x128xf32, #tpu.memory_space<hbm>>
      %dma_start3A_16 = arith.constant 0 : i32
      %dma_start3A_17 = arith.constant 0 : i32
      %dma_start3A_18 = tpu.memref_slice %arg2[%add3A, %dma_start3A_16, %dma_start3A_17] : memref<32x512x128xf32, #tpu.memory_space<hbm>> -> memref<1x512x128xf32, #tpu.memory_space<hbm>>
      %dma_start3A_19 = tpu.memref_squeeze %dma_start3A_18 : memref<1x512x128xf32, #tpu.memory_space<hbm>> -> memref<512x128xf32, #tpu.memory_space<hbm>>
      tpu.enqueue_dma source(%dma_start3A_19 : memref<512x128xf32, #tpu.memory_space<hbm>>) target(%arg5 : memref<512x128xf32, #tpu.memory_space<vmem>>) target_semaphore(%run_scoped3A : memref<!tpu.dma_semaphore, #tpu.memory_space<semaphore_mem>>)
      %dma_wait3A = arith.constant 0 : i32
      %dma_wait3A_20 = arith.constant 0 : i32
      %dma_wait3A_21 = tpu.memref_slice %arg2[%add3A, %dma_wait3A, %dma_wait3A_20] : memref<32x512x128xf32, #tpu.memory_space<hbm>> -> memref<1x512x128xf32, #tpu.memory_space<hbm>>
      %dma_wait3A_22 = tpu.memref_squeeze %dma_wait3A_21 : memref<1x512x128xf32, #tpu.memory_space<hbm>> -> memref<512x128xf32, #tpu.memory_space<hbm>>
      %dma_wait3A_23 = arith.constant 0 : i32
      %dma_wait3A_24 = arith.constant 0 : i32
      %dma_wait3A_25 = tpu.memref_slice %arg2[%add3A, %dma_wait3A_23, %dma_wait3A_24] : memref<32x512x128xf32, #tpu.memory_space<hbm>> -> memref<1x512x128xf32, #tpu.memory_space<hbm>>
      %dma_wait3A_26 = tpu.memref_squeeze %dma_wait3A_25 : memref<1x512x128xf32, #tpu.memory_space<hbm>> -> memref<512x128xf32, #tpu.memory_space<hbm>>
      tpu.wait_dma2 semaphore(%run_scoped3A : memref<!tpu.dma_semaphore, #tpu.memory_space<semaphore_mem>>) src(%dma_wait3A_26 : memref<512x128xf32, #tpu.memory_space<hbm>>) dst(%arg5 : memref<512x128xf32, #tpu.memory_space<vmem>>)
      tpu.yield
    }) : () -> ()
    "tpu.region"() ({
      %run_scoped3A = tpu.sem_alloc : memref<!tpu.dma_semaphore, #tpu.memory_space<semaphore_mem>>
      %dma_start3A = arith.constant 0 : i32
      %dma_start3A_13 = tpu.memref_slice %arg3[%add3A, %dma_start3A] : memref<32x4096xf32, #tpu.memory_space<hbm>> -> memref<1x4096xf32, #tpu.memory_space<hbm>>
      %dma_start3A_14 = tpu.memref_squeeze %dma_start3A_13 : memref<1x4096xf32, #tpu.memory_space<hbm>> -> memref<4096xf32, #tpu.memory_space<hbm>>
      %dma_start3A_15 = arith.constant 0 : i32
      %dma_start3A_16 = tpu.memref_slice %arg3[%add3A, %dma_start3A_15] : memref<32x4096xf32, #tpu.memory_space<hbm>> -> memref<1x4096xf32, #tpu.memory_space<hbm>>
      %dma_start3A_17 = tpu.memref_squeeze %dma_start3A_16 : memref<1x4096xf32, #tpu.memory_space<hbm>> -> memref<4096xf32, #tpu.memory_space<hbm>>
      tpu.enqueue_dma source(%dma_start3A_17 : memref<4096xf32, #tpu.memory_space<hbm>>) target(%arg6 : memref<4096xf32, #tpu.memory_space<vmem>>) target_semaphore(%run_scoped3A : memref<!tpu.dma_semaphore, #tpu.memory_space<semaphore_mem>>)
      %dma_wait3A = arith.constant 0 : i32
      %dma_wait3A_18 = tpu.memref_slice %arg3[%add3A, %dma_wait3A] : memref<32x4096xf32, #tpu.memory_space<hbm>> -> memref<1x4096xf32, #tpu.memory_space<hbm>>
      %dma_wait3A_19 = tpu.memref_squeeze %dma_wait3A_18 : memref<1x4096xf32, #tpu.memory_space<hbm>> -> memref<4096xf32, #tpu.memory_space<hbm>>
      %dma_wait3A_20 = arith.constant 0 : i32
      %dma_wait3A_21 = tpu.memref_slice %arg3[%add3A, %dma_wait3A_20] : memref<32x4096xf32, #tpu.memory_space<hbm>> -> memref<1x4096xf32, #tpu.memory_space<hbm>>
      %dma_wait3A_22 = tpu.memref_squeeze %dma_wait3A_21 : memref<1x4096xf32, #tpu.memory_space<hbm>> -> memref<4096xf32, #tpu.memory_space<hbm>>
      tpu.wait_dma2 semaphore(%run_scoped3A : memref<!tpu.dma_semaphore, #tpu.memory_space<semaphore_mem>>) src(%dma_wait3A_22 : memref<4096xf32, #tpu.memory_space<hbm>>) dst(%arg6 : memref<4096xf32, #tpu.memory_space<vmem>>)
      tpu.yield
    }) : () -> ()
    %broadcast_in_dim3A = arith.constant 0.000000e+00 : f32
    %broadcast_in_dim3A_1 = vector.broadcast %broadcast_in_dim3A : f32 to vector<16xf32>
    %parallel_loop3A = arith.constant 0 : i32
    %parallel_loop3A_2 = arith.constant 512 : i32
    %parallel_loop3A_3 = arith.constant 1 : i32
    scf.for %parallel_loop3A_13 = %parallel_loop3A to %parallel_loop3A_2 step %parallel_loop3A_3  : i32 {
      %parallel_loop3A_14 = arith.constant 16 : i32
      %parallel_loop3A_15 = arith.muli %parallel_loop3A_13, %parallel_loop3A_14 : i32
      %parallel_loop3A_16 = arith.index_cast %parallel_loop3A_15 : i32 to index
      %parallel_loop3A_17 = tpu.vector_load %arg7[%parallel_loop3A_16] {strides = array<i32>} : memref<8192xf32, #tpu.memory_space<vmem>>, vector<16xf32>,
      tpu.vector_store %arg7[%parallel_loop3A_16], %broadcast_in_dim3A_1 {strides = array<i32>} : memref<8192xf32, #tpu.memory_space<vmem>>, vector<16xf32>,
    } {sc.loop_unroll_factor = 8 : i64, sc.parallel_access}
    %iota3A = tpu.iota {dimensions = array<i32: 0>} : vector<16xi32>
    %mul3A_4 = arith.constant 512 : i32
    %mul3A_5 = vector.broadcast %mul3A_4 : i32 to vector<16xi32>
    %mul3A_6 = arith.muli %iota3A, %mul3A_5 : vector<16xi32>
    %parallel_loop3A_7 = arith.constant 0 : i32
    %parallel_loop3A_8 = arith.constant 256 : i32
    %parallel_loop3A_9 = arith.constant 1 : i32
    scf.for %parallel_loop3A_13 = %parallel_loop3A_7 to %parallel_loop3A_8 step %parallel_loop3A_9  : i32 {
      %parallel_loop3A_14 = arith.constant 16 : i32
      %parallel_loop3A_15 = arith.muli %parallel_loop3A_13, %parallel_loop3A_14 : i32
      %parallel_loop3A_16 = arith.index_cast %parallel_loop3A_15 : i32 to index
      %parallel_loop3A_17 = tpu.vector_load %arg6[%parallel_loop3A_16] {strides = array<i32>} : memref<4096xf32, #tpu.memory_space<vmem>>, vector<16xf32>,
      %parallel_loop3A_18 = arith.constant 3 : i32
      %parallel_loop3A_19 = arith.shrsi %parallel_loop3A_13, %parallel_loop3A_18 : i32
      %parallel_loop3A_20 = arith.constant 2 : i32
      %parallel_loop3A_21 = arith.muli %parallel_loop3A_19, %parallel_loop3A_20 : i32
      %parallel_loop3A_22 = arith.constant 7 : i32
      %parallel_loop3A_23 = arith.andi %parallel_loop3A_13, %parallel_loop3A_22 : i32
      %parallel_loop3A_24 = arith.constant 16 : i32
      %parallel_loop3A_25 = arith.muli %parallel_loop3A_23, %parallel_loop3A_24 : i32
      %parallel_loop3A_26 = arith.constant 0 : i32
      %parallel_loop3A_27 = arith.addi %parallel_loop3A_26, %parallel_loop3A_21 : i32
      %parallel_loop3A_28 = arith.index_cast %parallel_loop3A_27 : i32 to index
      %parallel_loop3A_29 = arith.index_cast %parallel_loop3A_25 : i32 to index
      %parallel_loop3A_30 = tpu.vector_load %arg5[%parallel_loop3A_28, %parallel_loop3A_29] {strides = array<i32>} : memref<512x128xf32, #tpu.memory_space<vmem>>, vector<16xf32>,
      %parallel_loop3A_31 = arith.constant 0 : i32
      %parallel_loop3A_32 = arith.addi %parallel_loop3A_31, %parallel_loop3A_21 : i32
      %parallel_loop3A_33 = arith.constant 1 : i32
      %parallel_loop3A_34 = arith.addi %parallel_loop3A_32, %parallel_loop3A_33 : i32
      %parallel_loop3A_35 = arith.index_cast %parallel_loop3A_34 : i32 to index
      %parallel_loop3A_36 = arith.index_cast %parallel_loop3A_25 : i32 to index
      %parallel_loop3A_37 = tpu.vector_load %arg5[%parallel_loop3A_35, %parallel_loop3A_36] {strides = array<i32>} : memref<512x128xf32, #tpu.memory_space<vmem>>, vector<16xf32>,
      %parallel_loop3A_38 = arith.constant 0.000000e+00 : f32
      %parallel_loop3A_39 = vector.broadcast %parallel_loop3A_38 : f32 to vector<16xf32>
      %parallel_loop3A_40 = arith.maximumf %parallel_loop3A_30, %parallel_loop3A_39 : vector<16xf32>
      %parallel_loop3A_41 = arith.constant 5.110000e+02 : f32
      %parallel_loop3A_42 = vector.broadcast %parallel_loop3A_41 : f32 to vector<16xf32>
      %parallel_loop3A_43 = arith.minimumf %parallel_loop3A_40, %parallel_loop3A_42 : vector<16xf32>
      %parallel_loop3A_44 = arith.constant 5.000000e-01 : f32
      %parallel_loop3A_45 = vector.broadcast %parallel_loop3A_44 : f32 to vector<16xf32>
      %parallel_loop3A_46 = arith.addf %parallel_loop3A_43, %parallel_loop3A_45 : vector<16xf32>
      %parallel_loop3A_47 = arith.fptosi %parallel_loop3A_46 : vector<16xf32> to vector<16xi32>
      %parallel_loop3A_48 = arith.addi %parallel_loop3A_47, %mul3A_6 : vector<16xi32>
      %parallel_loop3A_49 = arith.mulf %parallel_loop3A_37, %parallel_loop3A_17 : vector<16xf32>
      tpu.vector_store_idx %arg7[%parallel_loop3A_48], %parallel_loop3A_49 {add = true} : memref<8192xf32, #tpu.memory_space<vmem>>[vector<16xi32>], vector<16xf32>,
      %parallel_loop3A_50 = arith.constant 64 : i32
      %parallel_loop3A_51 = arith.addi %parallel_loop3A_50, %parallel_loop3A_21 : i32
      %parallel_loop3A_52 = arith.index_cast %parallel_loop3A_51 : i32 to index
      %parallel_loop3A_53 = arith.index_cast %parallel_loop3A_25 : i32 to index
      %parallel_loop3A_54 = tpu.vector_load %arg5[%parallel_loop3A_52, %parallel_loop3A_53] {strides = array<i32>} : memref<512x128xf32, #tpu.memory_space<vmem>>, vector<16xf32>,
      %parallel_loop3A_55 = arith.constant 64 : i32
      %parallel_loop3A_56 = arith.addi %parallel_loop3A_55, %parallel_loop3A_21 : i32
      %parallel_loop3A_57 = arith.constant 1 : i32
      %parallel_loop3A_58 = arith.addi %parallel_loop3A_56, %parallel_loop3A_57 : i32
      %parallel_loop3A_59 = arith.index_cast %parallel_loop3A_58 : i32 to index
      %parallel_loop3A_60 = arith.index_cast %parallel_loop3A_25 : i32 to index
      %parallel_loop3A_61 = tpu.vector_load %arg5[%parallel_loop3A_59, %parallel_loop3A_60] {strides = array<i32>} : memref<512x128xf32, #tpu.memory_space<vmem>>, vector<16xf32>,
      %parallel_loop3A_62 = arith.constant 0.000000e+00 : f32
      %parallel_loop3A_63 = vector.broadcast %parallel_loop3A_62 : f32 to vector<16xf32>
      %parallel_loop3A_64 = arith.maximumf %parallel_loop3A_54, %parallel_loop3A_63 : vector<16xf32>
      %parallel_loop3A_65 = arith.constant 5.110000e+02 : f32
      %parallel_loop3A_66 = vector.broadcast %parallel_loop3A_65 : f32 to vector<16xf32>
      %parallel_loop3A_67 = arith.minimumf %parallel_loop3A_64, %parallel_loop3A_66 : vector<16xf32>
      %parallel_loop3A_68 = arith.constant 5.000000e-01 : f32
      %parallel_loop3A_69 = vector.broadcast %parallel_loop3A_68 : f32 to vector<16xf32>
      %parallel_loop3A_70 = arith.addf %parallel_loop3A_67, %parallel_loop3A_69 : vector<16xf32>
      %parallel_loop3A_71 = arith.fptosi %parallel_loop3A_70 : vector<16xf32> to vector<16xi32>
      %parallel_loop3A_72 = arith.addi %parallel_loop3A_71, %mul3A_6 : vector<16xi32>
      %parallel_loop3A_73 = arith.mulf %parallel_loop3A_61, %parallel_loop3A_17 : vector<16xf32>
      tpu.vector_store_idx %arg7[%parallel_loop3A_72], %parallel_loop3A_73 {add = true} : memref<8192xf32, #tpu.memory_space<vmem>>[vector<16xi32>], vector<16xf32>,
      %parallel_loop3A_74 = arith.constant 128 : i32
      %parallel_loop3A_75 = arith.addi %parallel_loop3A_74, %parallel_loop3A_21 : i32
      %parallel_loop3A_76 = arith.index_cast %parallel_loop3A_75 : i32 to index
      %parallel_loop3A_77 = arith.index_cast %parallel_loop3A_25 : i32 to index
      %parallel_loop3A_78 = tpu.vector_load %arg5[%parallel_loop3A_76, %parallel_loop3A_77] {strides = array<i32>} : memref<512x128xf32, #tpu.memory_space<vmem>>, vector<16xf32>,
      %parallel_loop3A_79 = arith.constant 128 : i32
      %parallel_loop3A_80 = arith.addi %parallel_loop3A_79, %parallel_loop3A_21 : i32
      %parallel_loop3A_81 = arith.constant 1 : i32
      %parallel_loop3A_82 = arith.addi %parallel_loop3A_80, %parallel_loop3A_81 : i32
      %parallel_loop3A_83 = arith.index_cast %parallel_loop3A_82 : i32 to index
      %parallel_loop3A_84 = arith.index_cast %parallel_loop3A_25 : i32 to index
      %parallel_loop3A_85 = tpu.vector_load %arg5[%parallel_loop3A_83, %parallel_loop3A_84] {strides = array<i32>} : memref<512x128xf32, #tpu.memory_space<vmem>>, vector<16xf32>,
      %parallel_loop3A_86 = arith.constant 0.000000e+00 : f32
      %parallel_loop3A_87 = vector.broadcast %parallel_loop3A_86 : f32 to vector<16xf32>
      %parallel_loop3A_88 = arith.maximumf %parallel_loop3A_78, %parallel_loop3A_87 : vector<16xf32>
      %parallel_loop3A_89 = arith.constant 5.110000e+02 : f32
      %parallel_loop3A_90 = vector.broadcast %parallel_loop3A_89 : f32 to vector<16xf32>
      %parallel_loop3A_91 = arith.minimumf %parallel_loop3A_88, %parallel_loop3A_90 : vector<16xf32>
      %parallel_loop3A_92 = arith.constant 5.000000e-01 : f32
      %parallel_loop3A_93 = vector.broadcast %parallel_loop3A_92 : f32 to vector<16xf32>
      %parallel_loop3A_94 = arith.addf %parallel_loop3A_91, %parallel_loop3A_93 : vector<16xf32>
      %parallel_loop3A_95 = arith.fptosi %parallel_loop3A_94 : vector<16xf32> to vector<16xi32>
      %parallel_loop3A_96 = arith.addi %parallel_loop3A_95, %mul3A_6 : vector<16xi32>
      %parallel_loop3A_97 = arith.mulf %parallel_loop3A_85, %parallel_loop3A_17 : vector<16xf32>
      tpu.vector_store_idx %arg7[%parallel_loop3A_96], %parallel_loop3A_97 {add = true} : memref<8192xf32, #tpu.memory_space<vmem>>[vector<16xi32>], vector<16xf32>,
      %parallel_loop3A_98 = arith.constant 192 : i32
      %parallel_loop3A_99 = arith.addi %parallel_loop3A_98, %parallel_loop3A_21 : i32
      %parallel_loop3A_100 = arith.index_cast %parallel_loop3A_99 : i32 to index
      %parallel_loop3A_101 = arith.index_cast %parallel_loop3A_25 : i32 to index
      %parallel_loop3A_102 = tpu.vector_load %arg5[%parallel_loop3A_100, %parallel_loop3A_101] {strides = array<i32>} : memref<512x128xf32, #tpu.memory_space<vmem>>, vector<16xf32>,
      %parallel_loop3A_103 = arith.constant 192 : i32
      %parallel_loop3A_104 = arith.addi %parallel_loop3A_103, %parallel_loop3A_21 : i32
      %parallel_loop3A_105 = arith.constant 1 : i32
      %parallel_loop3A_106 = arith.addi %parallel_loop3A_104, %parallel_loop3A_105 : i32
      %parallel_loop3A_107 = arith.index_cast %parallel_loop3A_106 : i32 to index
      %parallel_loop3A_108 = arith.index_cast %parallel_loop3A_25 : i32 to index
      %parallel_loop3A_109 = tpu.vector_load %arg5[%parallel_loop3A_107, %parallel_loop3A_108] {strides = array<i32>} : memref<512x128xf32, #tpu.memory_space<vmem>>, vector<16xf32>,
      %parallel_loop3A_110 = arith.constant 0.000000e+00 : f32
      %parallel_loop3A_111 = vector.broadcast %parallel_loop3A_110 : f32 to vector<16xf32>
      %parallel_loop3A_112 = arith.maximumf %parallel_loop3A_102, %parallel_loop3A_111 : vector<16xf32>
      %parallel_loop3A_113 = arith.constant 5.110000e+02 : f32
      %parallel_loop3A_114 = vector.broadcast %parallel_loop3A_113 : f32 to vector<16xf32>
      %parallel_loop3A_115 = arith.minimumf %parallel_loop3A_112, %parallel_loop3A_114 : vector<16xf32>
      %parallel_loop3A_116 = arith.constant 5.000000e-01 : f32
      %parallel_loop3A_117 = vector.broadcast %parallel_loop3A_116 : f32 to vector<16xf32>
      %parallel_loop3A_118 = arith.addf %parallel_loop3A_115, %parallel_loop3A_117 : vector<16xf32>
      %parallel_loop3A_119 = arith.fptosi %parallel_loop3A_118 : vector<16xf32> to vector<16xi32>
      %parallel_loop3A_120 = arith.addi %parallel_loop3A_119, %mul3A_6 : vector<16xi32>
      %parallel_loop3A_121 = arith.mulf %parallel_loop3A_109, %parallel_loop3A_17 : vector<16xf32>
      tpu.vector_store_idx %arg7[%parallel_loop3A_120], %parallel_loop3A_121 {add = true} : memref<8192xf32, #tpu.memory_space<vmem>>[vector<16xi32>], vector<16xf32>,
      %parallel_loop3A_122 = arith.constant 256 : i32
      %parallel_loop3A_123 = arith.addi %parallel_loop3A_122, %parallel_loop3A_21 : i32
      %parallel_loop3A_124 = arith.index_cast %parallel_loop3A_123 : i32 to index
      %parallel_loop3A_125 = arith.index_cast %parallel_loop3A_25 : i32 to index
      %parallel_loop3A_126 = tpu.vector_load %arg5[%parallel_loop3A_124, %parallel_loop3A_125] {strides = array<i32>} : memref<512x128xf32, #tpu.memory_space<vmem>>, vector<16xf32>,
      %parallel_loop3A_127 = arith.constant 256 : i32
      %parallel_loop3A_128 = arith.addi %parallel_loop3A_127, %parallel_loop3A_21 : i32
      %parallel_loop3A_129 = arith.constant 1 : i32
      %parallel_loop3A_130 = arith.addi %parallel_loop3A_128, %parallel_loop3A_129 : i32
      %parallel_loop3A_131 = arith.index_cast %parallel_loop3A_130 : i32 to index
      %parallel_loop3A_132 = arith.index_cast %parallel_loop3A_25 : i32 to index
      %parallel_loop3A_133 = tpu.vector_load %arg5[%parallel_loop3A_131, %parallel_loop3A_132] {strides = array<i32>} : memref<512x128xf32, #tpu.memory_space<vmem>>, vector<16xf32>,
      %parallel_loop3A_134 = arith.constant 0.000000e+00 : f32
      %parallel_loop3A_135 = vector.broadcast %parallel_loop3A_134 : f32 to vector<16xf32>
      %parallel_loop3A_136 = arith.maximumf %parallel_loop3A_126, %parallel_loop3A_135 : vector<16xf32>
      %parallel_loop3A_137 = arith.constant 5.110000e+02 : f32
      %parallel_loop3A_138 = vector.broadcast %parallel_loop3A_137 : f32 to vector<16xf32>
      %parallel_loop3A_139 = arith.minimumf %parallel_loop3A_136, %parallel_loop3A_138 : vector<16xf32>
      %parallel_loop3A_140 = arith.constant 5.000000e-01 : f32
      %parallel_loop3A_141 = vector.broadcast %parallel_loop3A_140 : f32 to vector<16xf32>
      %parallel_loop3A_142 = arith.addf %parallel_loop3A_139, %parallel_loop3A_141 : vector<16xf32>
      %parallel_loop3A_143 = arith.fptosi %parallel_loop3A_142 : vector<16xf32> to vector<16xi32>
      %parallel_loop3A_144 = arith.addi %parallel_loop3A_143, %mul3A_6 : vector<16xi32>
      %parallel_loop3A_145 = arith.mulf %parallel_loop3A_133, %parallel_loop3A_17 : vector<16xf32>
      tpu.vector_store_idx %arg7[%parallel_loop3A_144], %parallel_loop3A_145 {add = true} : memref<8192xf32, #tpu.memory_space<vmem>>[vector<16xi32>], vector<16xf32>,
      %parallel_loop3A_146 = arith.constant 320 : i32
      %parallel_loop3A_147 = arith.addi %parallel_loop3A_146, %parallel_loop3A_21 : i32
      %parallel_loop3A_148 = arith.index_cast %parallel_loop3A_147 : i32 to index
      %parallel_loop3A_149 = arith.index_cast %parallel_loop3A_25 : i32 to index
      %parallel_loop3A_150 = tpu.vector_load %arg5[%parallel_loop3A_148, %parallel_loop3A_149] {strides = array<i32>} : memref<512x128xf32, #tpu.memory_space<vmem>>, vector<16xf32>,
      %parallel_loop3A_151 = arith.constant 320 : i32
      %parallel_loop3A_152 = arith.addi %parallel_loop3A_151, %parallel_loop3A_21 : i32
      %parallel_loop3A_153 = arith.constant 1 : i32
      %parallel_loop3A_154 = arith.addi %parallel_loop3A_152, %parallel_loop3A_153 : i32
      %parallel_loop3A_155 = arith.index_cast %parallel_loop3A_154 : i32 to index
      %parallel_loop3A_156 = arith.index_cast %parallel_loop3A_25 : i32 to index
      %parallel_loop3A_157 = tpu.vector_load %arg5[%parallel_loop3A_155, %parallel_loop3A_156] {strides = array<i32>} : memref<512x128xf32, #tpu.memory_space<vmem>>, vector<16xf32>,
      %parallel_loop3A_158 = arith.constant 0.000000e+00 : f32
      %parallel_loop3A_159 = vector.broadcast %parallel_loop3A_158 : f32 to vector<16xf32>
      %parallel_loop3A_160 = arith.maximumf %parallel_loop3A_150, %parallel_loop3A_159 : vector<16xf32>
      %parallel_loop3A_161 = arith.constant 5.110000e+02 : f32
      %parallel_loop3A_162 = vector.broadcast %parallel_loop3A_161 : f32 to vector<16xf32>
      %parallel_loop3A_163 = arith.minimumf %parallel_loop3A_160, %parallel_loop3A_162 : vector<16xf32>
      %parallel_loop3A_164 = arith.constant 5.000000e-01 : f32
      %parallel_loop3A_165 = vector.broadcast %parallel_loop3A_164 : f32 to vector<16xf32>
      %parallel_loop3A_166 = arith.addf %parallel_loop3A_163, %parallel_loop3A_165 : vector<16xf32>
      %parallel_loop3A_167 = arith.fptosi %parallel_loop3A_166 : vector<16xf32> to vector<16xi32>
      %parallel_loop3A_168 = arith.addi %parallel_loop3A_167, %mul3A_6 : vector<16xi32>
      %parallel_loop3A_169 = arith.mulf %parallel_loop3A_157, %parallel_loop3A_17 : vector<16xf32>
      tpu.vector_store_idx %arg7[%parallel_loop3A_168], %parallel_loop3A_169 {add = true} : memref<8192xf32, #tpu.memory_space<vmem>>[vector<16xi32>], vector<16xf32>,
      %parallel_loop3A_170 = arith.constant 384 : i32
      %parallel_loop3A_171 = arith.addi %parallel_loop3A_170, %parallel_loop3A_21 : i32
      %parallel_loop3A_172 = arith.index_cast %parallel_loop3A_171 : i32 to index
      %parallel_loop3A_173 = arith.index_cast %parallel_loop3A_25 : i32 to index
      %parallel_loop3A_174 = tpu.vector_load %arg5[%parallel_loop3A_172, %parallel_loop3A_173] {strides = array<i32>} : memref<512x128xf32, #tpu.memory_space<vmem>>, vector<16xf32>,
      %parallel_loop3A_175 = arith.constant 384 : i32
      %parallel_loop3A_176 = arith.addi %parallel_loop3A_175, %parallel_loop3A_21 : i32
      %parallel_loop3A_177 = arith.constant 1 : i32
      %parallel_loop3A_178 = arith.addi %parallel_loop3A_176, %parallel_loop3A_177 : i32
      %parallel_loop3A_179 = arith.index_cast %parallel_loop3A_178 : i32 to index
      %parallel_loop3A_180 = arith.index_cast %parallel_loop3A_25 : i32 to index
      %parallel_loop3A_181 = tpu.vector_load %arg5[%parallel_loop3A_179, %parallel_loop3A_180] {strides = array<i32>} : memref<512x128xf32, #tpu.memory_space<vmem>>, vector<16xf32>,
      %parallel_loop3A_182 = arith.constant 0.000000e+00 : f32
      %parallel_loop3A_183 = vector.broadcast %parallel_loop3A_182 : f32 to vector<16xf32>
      %parallel_loop3A_184 = arith.maximumf %parallel_loop3A_174, %parallel_loop3A_183 : vector<16xf32>
      %parallel_loop3A_185 = arith.constant 5.110000e+02 : f32
      %parallel_loop3A_186 = vector.broadcast %parallel_loop3A_185 : f32 to vector<16xf32>
      %parallel_loop3A_187 = arith.minimumf %parallel_loop3A_184, %parallel_loop3A_186 : vector<16xf32>
      %parallel_loop3A_188 = arith.constant 5.000000e-01 : f32
      %parallel_loop3A_189 = vector.broadcast %parallel_loop3A_188 : f32 to vector<16xf32>
      %parallel_loop3A_190 = arith.addf %parallel_loop3A_187, %parallel_loop3A_189 : vector<16xf32>
      %parallel_loop3A_191 = arith.fptosi %parallel_loop3A_190 : vector<16xf32> to vector<16xi32>
      %parallel_loop3A_192 = arith.addi %parallel_loop3A_191, %mul3A_6 : vector<16xi32>
      %parallel_loop3A_193 = arith.mulf %parallel_loop3A_181, %parallel_loop3A_17 : vector<16xf32>
      tpu.vector_store_idx %arg7[%parallel_loop3A_192], %parallel_loop3A_193 {add = true} : memref<8192xf32, #tpu.memory_space<vmem>>[vector<16xi32>], vector<16xf32>,
      %parallel_loop3A_194 = arith.constant 448 : i32
      %parallel_loop3A_195 = arith.addi %parallel_loop3A_194, %parallel_loop3A_21 : i32
      %parallel_loop3A_196 = arith.index_cast %parallel_loop3A_195 : i32 to index
      %parallel_loop3A_197 = arith.index_cast %parallel_loop3A_25 : i32 to index
      %parallel_loop3A_198 = tpu.vector_load %arg5[%parallel_loop3A_196, %parallel_loop3A_197] {strides = array<i32>} : memref<512x128xf32, #tpu.memory_space<vmem>>, vector<16xf32>,
      %parallel_loop3A_199 = arith.constant 448 : i32
      %parallel_loop3A_200 = arith.addi %parallel_loop3A_199, %parallel_loop3A_21 : i32
      %parallel_loop3A_201 = arith.constant 1 : i32
      %parallel_loop3A_202 = arith.addi %parallel_loop3A_200, %parallel_loop3A_201 : i32
      %parallel_loop3A_203 = arith.index_cast %parallel_loop3A_202 : i32 to index
      %parallel_loop3A_204 = arith.index_cast %parallel_loop3A_25 : i32 to index
      %parallel_loop3A_205 = tpu.vector_load %arg5[%parallel_loop3A_203, %parallel_loop3A_204] {strides = array<i32>} : memref<512x128xf32, #tpu.memory_space<vmem>>, vector<16xf32>,
      %parallel_loop3A_206 = arith.constant 0.000000e+00 : f32
      %parallel_loop3A_207 = vector.broadcast %parallel_loop3A_206 : f32 to vector<16xf32>
      %parallel_loop3A_208 = arith.maximumf %parallel_loop3A_198, %parallel_loop3A_207 : vector<16xf32>
      %parallel_loop3A_209 = arith.constant 5.110000e+02 : f32
      %parallel_loop3A_210 = vector.broadcast %parallel_loop3A_209 : f32 to vector<16xf32>
      %parallel_loop3A_211 = arith.minimumf %parallel_loop3A_208, %parallel_loop3A_210 : vector<16xf32>
      %parallel_loop3A_212 = arith.constant 5.000000e-01 : f32
      %parallel_loop3A_213 = vector.broadcast %parallel_loop3A_212 : f32 to vector<16xf32>
      %parallel_loop3A_214 = arith.addf %parallel_loop3A_211, %parallel_loop3A_213 : vector<16xf32>
      %parallel_loop3A_215 = arith.fptosi %parallel_loop3A_214 : vector<16xf32> to vector<16xi32>
      %parallel_loop3A_216 = arith.addi %parallel_loop3A_215, %mul3A_6 : vector<16xi32>
      %parallel_loop3A_217 = arith.mulf %parallel_loop3A_205, %parallel_loop3A_17 : vector<16xf32>
      tpu.vector_store_idx %arg7[%parallel_loop3A_216], %parallel_loop3A_217 {add = true} : memref<8192xf32, #tpu.memory_space<vmem>>[vector<16xi32>], vector<16xf32>,
    } {sc.loop_unroll_factor = 2 : i64, sc.parallel_access}
    %parallel_loop3A_10 = arith.constant 0 : i32
    %parallel_loop3A_11 = arith.constant 32 : i32
    %parallel_loop3A_12 = arith.constant 1 : i32
    scf.for %parallel_loop3A_13 = %parallel_loop3A_10 to %parallel_loop3A_11 step %parallel_loop3A_12  : i32 {
      %parallel_loop3A_14 = arith.constant 16 : i32
      %parallel_loop3A_15 = arith.muli %parallel_loop3A_13, %parallel_loop3A_14 : i32
      %parallel_loop3A_16 = arith.index_cast %parallel_loop3A_15 : i32 to index
      %parallel_loop3A_17 = tpu.vector_load %arg7[%parallel_loop3A_16] {strides = array<i32>} : memref<8192xf32, #tpu.memory_space<vmem>>, vector<16xf32>,
      %parallel_loop3A_18 = arith.constant 16 : i32
      %parallel_loop3A_19 = arith.muli %parallel_loop3A_13, %parallel_loop3A_18 : i32
      %parallel_loop3A_20 = arith.constant 512 : i32
      %parallel_loop3A_21 = arith.addi %parallel_loop3A_20, %parallel_loop3A_19 : i32
      %parallel_loop3A_22 = arith.index_cast %parallel_loop3A_21 : i32 to index
      %parallel_loop3A_23 = tpu.vector_load %arg7[%parallel_loop3A_22] {strides = array<i32>} : memref<8192xf32, #tpu.memory_space<vmem>>, vector<16xf32>,
      %parallel_loop3A_24 = arith.addf %parallel_loop3A_17, %parallel_loop3A_23 : vector<16xf32>
      %parallel_loop3A_25 = arith.constant 16 : i32
      %parallel_loop3A_26 = arith.muli %parallel_loop3A_13, %parallel_loop3A_25 : i32
      %parallel_loop3A_27 = arith.constant 1024 : i32
      %parallel_loop3A_28 = arith.addi %parallel_loop3A_27, %parallel_loop3A_26 : i32
      %parallel_loop3A_29 = arith.index_cast %parallel_loop3A_28 : i32 to index
      %parallel_loop3A_30 = tpu.vector_load %arg7[%parallel_loop3A_29] {strides = array<i32>} : memref<8192xf32, #tpu.memory_space<vmem>>, vector<16xf32>,
      %parallel_loop3A_31 = arith.addf %parallel_loop3A_24, %parallel_loop3A_30 : vector<16xf32>
      %parallel_loop3A_32 = arith.constant 16 : i32
      %parallel_loop3A_33 = arith.muli %parallel_loop3A_13, %parallel_loop3A_32 : i32
      %parallel_loop3A_34 = arith.constant 1536 : i32
      %parallel_loop3A_35 = arith.addi %parallel_loop3A_34, %parallel_loop3A_33 : i32
      %parallel_loop3A_36 = arith.index_cast %parallel_loop3A_35 : i32 to index
      %parallel_loop3A_37 = tpu.vector_load %arg7[%parallel_loop3A_36] {strides = array<i32>} : memref<8192xf32, #tpu.memory_space<vmem>>, vector<16xf32>,
      %parallel_loop3A_38 = arith.addf %parallel_loop3A_31, %parallel_loop3A_37 : vector<16xf32>
      %parallel_loop3A_39 = arith.constant 16 : i32
      %parallel_loop3A_40 = arith.muli %parallel_loop3A_13, %parallel_loop3A_39 : i32
      %parallel_loop3A_41 = arith.constant 2048 : i32
      %parallel_loop3A_42 = arith.addi %parallel_loop3A_41, %parallel_loop3A_40 : i32
      %parallel_loop3A_43 = arith.index_cast %parallel_loop3A_42 : i32 to index
      %parallel_loop3A_44 = tpu.vector_load %arg7[%parallel_loop3A_43] {strides = array<i32>} : memref<8192xf32, #tpu.memory_space<vmem>>, vector<16xf32>,
      %parallel_loop3A_45 = arith.addf %parallel_loop3A_38, %parallel_loop3A_44 : vector<16xf32>
      %parallel_loop3A_46 = arith.constant 16 : i32
      %parallel_loop3A_47 = arith.muli %parallel_loop3A_13, %parallel_loop3A_46 : i32
      %parallel_loop3A_48 = arith.constant 2560 : i32
      %parallel_loop3A_49 = arith.addi %parallel_loop3A_48, %parallel_loop3A_47 : i32
      %parallel_loop3A_50 = arith.index_cast %parallel_loop3A_49 : i32 to index
      %parallel_loop3A_51 = tpu.vector_load %arg7[%parallel_loop3A_50] {strides = array<i32>} : memref<8192xf32, #tpu.memory_space<vmem>>, vector<16xf32>,
      %parallel_loop3A_52 = arith.addf %parallel_loop3A_45, %parallel_loop3A_51 : vector<16xf32>
      %parallel_loop3A_53 = arith.constant 16 : i32
      %parallel_loop3A_54 = arith.muli %parallel_loop3A_13, %parallel_loop3A_53 : i32
      %parallel_loop3A_55 = arith.constant 3072 : i32
      %parallel_loop3A_56 = arith.addi %parallel_loop3A_55, %parallel_loop3A_54 : i32
      %parallel_loop3A_57 = arith.index_cast %parallel_loop3A_56 : i32 to index
      %parallel_loop3A_58 = tpu.vector_load %arg7[%parallel_loop3A_57] {strides = array<i32>} : memref<8192xf32, #tpu.memory_space<vmem>>, vector<16xf32>,
      %parallel_loop3A_59 = arith.addf %parallel_loop3A_52, %parallel_loop3A_58 : vector<16xf32>
      %parallel_loop3A_60 = arith.constant 16 : i32
      %parallel_loop3A_61 = arith.muli %parallel_loop3A_13, %parallel_loop3A_60 : i32
      %parallel_loop3A_62 = arith.constant 3584 : i32
      %parallel_loop3A_63 = arith.addi %parallel_loop3A_62, %parallel_loop3A_61 : i32
      %parallel_loop3A_64 = arith.index_cast %parallel_loop3A_63 : i32 to index
      %parallel_loop3A_65 = tpu.vector_load %arg7[%parallel_loop3A_64] {strides = array<i32>} : memref<8192xf32, #tpu.memory_space<vmem>>, vector<16xf32>,
      %parallel_loop3A_66 = arith.addf %parallel_loop3A_59, %parallel_loop3A_65 : vector<16xf32>
      %parallel_loop3A_67 = arith.constant 16 : i32
      %parallel_loop3A_68 = arith.muli %parallel_loop3A_13, %parallel_loop3A_67 : i32
      %parallel_loop3A_69 = arith.constant 4096 : i32
      %parallel_loop3A_70 = arith.addi %parallel_loop3A_69, %parallel_loop3A_68 : i32
      %parallel_loop3A_71 = arith.index_cast %parallel_loop3A_70 : i32 to index
      %parallel_loop3A_72 = tpu.vector_load %arg7[%parallel_loop3A_71] {strides = array<i32>} : memref<8192xf32, #tpu.memory_space<vmem>>, vector<16xf32>,
      %parallel_loop3A_73 = arith.addf %parallel_loop3A_66, %parallel_loop3A_72 : vector<16xf32>
      %parallel_loop3A_74 = arith.constant 16 : i32
      %parallel_loop3A_75 = arith.muli %parallel_loop3A_13, %parallel_loop3A_74 : i32
      %parallel_loop3A_76 = arith.constant 4608 : i32
      %parallel_loop3A_77 = arith.addi %parallel_loop3A_76, %parallel_loop3A_75 : i32
      %parallel_loop3A_78 = arith.index_cast %parallel_loop3A_77 : i32 to index
      %parallel_loop3A_79 = tpu.vector_load %arg7[%parallel_loop3A_78] {strides = array<i32>} : memref<8192xf32, #tpu.memory_space<vmem>>, vector<16xf32>,
      %parallel_loop3A_80 = arith.addf %parallel_loop3A_73, %parallel_loop3A_79 : vector<16xf32>
      %parallel_loop3A_81 = arith.constant 16 : i32
      %parallel_loop3A_82 = arith.muli %parallel_loop3A_13, %parallel_loop3A_81 : i32
      %parallel_loop3A_83 = arith.constant 5120 : i32
      %parallel_loop3A_84 = arith.addi %parallel_loop3A_83, %parallel_loop3A_82 : i32
      %parallel_loop3A_85 = arith.index_cast %parallel_loop3A_84 : i32 to index
      %parallel_loop3A_86 = tpu.vector_load %arg7[%parallel_loop3A_85] {strides = array<i32>} : memref<8192xf32, #tpu.memory_space<vmem>>, vector<16xf32>,
      %parallel_loop3A_87 = arith.addf %parallel_loop3A_80, %parallel_loop3A_86 : vector<16xf32>
      %parallel_loop3A_88 = arith.constant 16 : i32
      %parallel_loop3A_89 = arith.muli %parallel_loop3A_13, %parallel_loop3A_88 : i32
      %parallel_loop3A_90 = arith.constant 5632 : i32
      %parallel_loop3A_91 = arith.addi %parallel_loop3A_90, %parallel_loop3A_89 : i32
      %parallel_loop3A_92 = arith.index_cast %parallel_loop3A_91 : i32 to index
      %parallel_loop3A_93 = tpu.vector_load %arg7[%parallel_loop3A_92] {strides = array<i32>} : memref<8192xf32, #tpu.memory_space<vmem>>, vector<16xf32>,
      %parallel_loop3A_94 = arith.addf %parallel_loop3A_87, %parallel_loop3A_93 : vector<16xf32>
      %parallel_loop3A_95 = arith.constant 16 : i32
      %parallel_loop3A_96 = arith.muli %parallel_loop3A_13, %parallel_loop3A_95 : i32
      %parallel_loop3A_97 = arith.constant 6144 : i32
      %parallel_loop3A_98 = arith.addi %parallel_loop3A_97, %parallel_loop3A_96 : i32
      %parallel_loop3A_99 = arith.index_cast %parallel_loop3A_98 : i32 to index
      %parallel_loop3A_100 = tpu.vector_load %arg7[%parallel_loop3A_99] {strides = array<i32>} : memref<8192xf32, #tpu.memory_space<vmem>>, vector<16xf32>,
      %parallel_loop3A_101 = arith.addf %parallel_loop3A_94, %parallel_loop3A_100 : vector<16xf32>
      %parallel_loop3A_102 = arith.constant 16 : i32
      %parallel_loop3A_103 = arith.muli %parallel_loop3A_13, %parallel_loop3A_102 : i32
      %parallel_loop3A_104 = arith.constant 6656 : i32
      %parallel_loop3A_105 = arith.addi %parallel_loop3A_104, %parallel_loop3A_103 : i32
      %parallel_loop3A_106 = arith.index_cast %parallel_loop3A_105 : i32 to index
      %parallel_loop3A_107 = tpu.vector_load %arg7[%parallel_loop3A_106] {strides = array<i32>} : memref<8192xf32, #tpu.memory_space<vmem>>, vector<16xf32>,
      %parallel_loop3A_108 = arith.addf %parallel_loop3A_101, %parallel_loop3A_107 : vector<16xf32>
      %parallel_loop3A_109 = arith.constant 16 : i32
      %parallel_loop3A_110 = arith.muli %parallel_loop3A_13, %parallel_loop3A_109 : i32
      %parallel_loop3A_111 = arith.constant 7168 : i32
      %parallel_loop3A_112 = arith.addi %parallel_loop3A_111, %parallel_loop3A_110 : i32
      %parallel_loop3A_113 = arith.index_cast %parallel_loop3A_112 : i32 to index
      %parallel_loop3A_114 = tpu.vector_load %arg7[%parallel_loop3A_113] {strides = array<i32>} : memref<8192xf32, #tpu.memory_space<vmem>>, vector<16xf32>,
      %parallel_loop3A_115 = arith.addf %parallel_loop3A_108, %parallel_loop3A_114 : vector<16xf32>
      %parallel_loop3A_116 = arith.constant 16 : i32
      %parallel_loop3A_117 = arith.muli %parallel_loop3A_13, %parallel_loop3A_116 : i32
      %parallel_loop3A_118 = arith.constant 7680 : i32
      %parallel_loop3A_119 = arith.addi %parallel_loop3A_118, %parallel_loop3A_117 : i32
      %parallel_loop3A_120 = arith.index_cast %parallel_loop3A_119 : i32 to index
      %parallel_loop3A_121 = tpu.vector_load %arg7[%parallel_loop3A_120] {strides = array<i32>} : memref<8192xf32, #tpu.memory_space<vmem>>, vector<16xf32>,
      %parallel_loop3A_122 = arith.addf %parallel_loop3A_115, %parallel_loop3A_121 : vector<16xf32>
      %parallel_loop3A_123 = arith.constant 16 : i32
      %parallel_loop3A_124 = arith.muli %parallel_loop3A_13, %parallel_loop3A_123 : i32
      %parallel_loop3A_125 = arith.index_cast %parallel_loop3A_124 : i32 to index
      %parallel_loop3A_126 = tpu.vector_load %arg8[%parallel_loop3A_125] {strides = array<i32>} : memref<512xf32, #tpu.memory_space<vmem>>, vector<16xf32>,
      tpu.vector_store %arg8[%parallel_loop3A_125], %parallel_loop3A_122 {strides = array<i32>} : memref<512xf32, #tpu.memory_space<vmem>>, vector<16xf32>,
    } {sc.loop_unroll_factor = 2 : i64, sc.parallel_access}
    "tpu.region"() ({
      %run_scoped3A = tpu.sem_alloc : memref<!tpu.dma_semaphore, #tpu.memory_space<semaphore_mem>>
      %dma_start3A = arith.constant 0 : i32
      %dma_start3A_13 = tpu.memref_slice %arg4[%add3A, %dma_start3A] : memref<32x512xf32, #tpu.memory_space<hbm>> -> memref<1x512xf32, #tpu.memory_space<hbm>>
      %dma_start3A_14 = tpu.memref_squeeze %dma_start3A_13 : memref<1x512xf32, #tpu.memory_space<hbm>> -> memref<512xf32, #tpu.memory_space<hbm>>
      %dma_start3A_15 = arith.constant 0 : i32
      %dma_start3A_16 = tpu.memref_slice %arg4[%add3A, %dma_start3A_15] : memref<32x512xf32, #tpu.memory_space<hbm>> -> memref<1x512xf32, #tpu.memory_space<hbm>>
      %dma_start3A_17 = tpu.memref_squeeze %dma_start3A_16 : memref<1x512xf32, #tpu.memory_space<hbm>> -> memref<512xf32, #tpu.memory_space<hbm>>
      tpu.enqueue_dma source(%arg8 : memref<512xf32, #tpu.memory_space<vmem>>) target(%dma_start3A_17 : memref<512xf32, #tpu.memory_space<hbm>>) target_semaphore(%run_scoped3A : memref<!tpu.dma_semaphore, #tpu.memory_space<semaphore_mem>>)
      %dma_wait3A = arith.constant 0 : i32
      %dma_wait3A_18 = tpu.memref_slice %arg4[%add3A, %dma_wait3A] : memref<32x512xf32, #tpu.memory_space<hbm>> -> memref<1x512xf32, #tpu.memory_space<hbm>>
      %dma_wait3A_19 = tpu.memref_squeeze %dma_wait3A_18 : memref<1x512xf32, #tpu.memory_space<hbm>> -> memref<512xf32, #tpu.memory_space<hbm>>
      %dma_wait3A_20 = arith.constant 0 : i32
      %dma_wait3A_21 = tpu.memref_slice %arg4[%add3A, %dma_wait3A_20] : memref<32x512xf32, #tpu.memory_space<hbm>> -> memref<1x512xf32, #tpu.memory_space<hbm>>
      %dma_wait3A_22 = tpu.memref_squeeze %dma_wait3A_21 : memref<1x512xf32, #tpu.memory_space<hbm>> -> memref<512xf32, #tpu.memory_space<hbm>>
      tpu.wait_dma2 semaphore(%run_scoped3A : memref<!tpu.dma_semaphore, #tpu.memory_space<semaphore_mem>>) src(%arg8 : memref<512xf32, #tpu.memory_space<vmem>>) dst(%dma_wait3A_22 : memref<512xf32, #tpu.memory_space<hbm>>)
      tpu.yield
    }) : () -> ()
    return
  }
}

module attributes {stable_mosaic.version = 14 : i64} {
  func.func @_tc_body(%arg0: i32, %arg1: memref<1x72x32xf32, #tpu.memory_space<vmem>>, %arg2: memref<1x32x4096xi32, #tpu.memory_space<vmem>>, %arg3: memref<1x72xf32, #tpu.memory_space<vmem>>, %arg4: memref<128x72xf32, #tpu.memory_space<vmem>>, %arg5: memref<128x136xf32, #tpu.memory_space<vmem>>, %arg6: memref<1x128xf32, #tpu.memory_space<vmem>>, %arg7: memref<1x128xf32, #tpu.memory_space<vmem>>, %arg8: memref<1x1xf32, #tpu.memory_space<vmem>>, %arg9: memref<1x1xf32, #tpu.memory_space<vmem>>, %arg10: memref<1x1x4096xf32, #tpu.memory_space<vmem>>) attributes {dimension_semantics = [#tpu.dimension_semantics<arbitrary>], iteration_bounds = array<i64: 32>, scalar_prefetch = 0 : i64, scratch_operands = 0 : i64, tpu.core_type = #tpu.core_type<tc>, window_params = [{transform_indices = @transform_0, window_bounds = array<i64: 1, 72, 32>}, {transform_indices = @transform_1, window_bounds = array<i64: 1, 32, 4096>}, {pipeline_mode = #tpu.pipeline_mode<synchronous>, transform_indices = @transform_2, window_bounds = array<i64: 1, 72>}, {pipeline_mode = #tpu.pipeline_mode<synchronous>, transform_indices = @transform_3, window_bounds = array<i64: 128, 72>}, {pipeline_mode = #tpu.pipeline_mode<synchronous>, transform_indices = @transform_4, window_bounds = array<i64: 128, 136>}, {pipeline_mode = #tpu.pipeline_mode<synchronous>, transform_indices = @transform_5, window_bounds = array<i64: 1, 128>}, {pipeline_mode = #tpu.pipeline_mode<synchronous>, transform_indices = @transform_6, window_bounds = array<i64: 1, 128>}, {pipeline_mode = #tpu.pipeline_mode<synchronous>, transform_indices = @transform_7, window_bounds = array<i64: 1, 1>}, {pipeline_mode = #tpu.pipeline_mode<synchronous>, transform_indices = @transform_8, window_bounds = array<i64: 1, 1>}, {transform_indices = @transform_9, window_bounds = array<i64: 1, 1, 4096>}]} {
    %get3A = arith.constant 0 : index
    %get3A_0 = arith.constant 0 : index
    %get3A_1 = arith.constant 0 : index
    %get3A_2 = vector.load %arg2[%get3A, %get3A_0, %get3A_1] : memref<1x32x4096xi32, #tpu.memory_space<vmem>>, vector<1x32x4096xi32>
    %get3A_3 = vector.shape_cast %get3A_2 : vector<1x32x4096xi32> to vector<32x4096xi32>
    %convert_element_type3A = arith.sitofp %get3A_3 : vector<32x4096xi32> to vector<32x4096xf32>
    %get3A_4 = arith.constant 0 : index
    %get3A_5 = arith.constant 0 : index
    %get3A_6 = arith.constant 0 : index
    %get3A_7 = vector.load %arg1[%get3A_4, %get3A_5, %get3A_6] : memref<1x72x32xf32, #tpu.memory_space<vmem>>, vector<1x72x32xf32>
    %get3A_8 = vector.shape_cast %get3A_7 : vector<1x72x32xf32> to vector<72x32xf32>
    %dot_general3A = arith.constant dense<0.000000e+00> : vector<72x4096xf32>
    %dot_general3A_9 = tpu.matmul %get3A_8, %convert_element_type3A, %dot_general3A {dimension_numbers = #tpu.dot_dimension_numbers<[1], [0], [0], [1], [0, 0, 1, 1], [], []>, transpose_lhs_hint = false} : vector<72x32xf32>, vector<32x4096xf32>, vector<72x4096xf32> -> vector<72x4096xf32>
    %get3A_10 = arith.constant 0 : index
    %get3A_11 = arith.constant 0 : index
    %get3A_12 = vector.load %arg3[%get3A_10, %get3A_11] : memref<1x72xf32, #tpu.memory_space<vmem>>, vector<1x72xf32>
    %dot_general3A_13 = arith.constant dense<0.000000e+00> : vector<1x4096xf32>
    %dot_general3A_14 = tpu.matmul %get3A_12, %dot_general3A_9, %dot_general3A_13 {dimension_numbers = #tpu.dot_dimension_numbers<[1], [0], [0], [1], [0, 0, 1, 1], [], []>, transpose_lhs_hint = false} : vector<1x72xf32>, vector<72x4096xf32>, vector<1x4096xf32> -> vector<1x4096xf32>
    %get3A_15 = arith.constant 0 : index
    %get3A_16 = arith.constant 0 : index
    %get3A_17 = vector.load %arg3[%get3A_15, %get3A_16] : memref<1x72xf32, #tpu.memory_space<vmem>>, vector<1x72xf32>
    %mul3A = arith.mulf %dot_general3A_9, %dot_general3A_9 : vector<72x4096xf32>
    %dot_general3A_18 = arith.constant dense<0.000000e+00> : vector<1x4096xf32>
    %dot_general3A_19 = tpu.matmul %get3A_17, %mul3A, %dot_general3A_18 {dimension_numbers = #tpu.dot_dimension_numbers<[1], [0], [0], [1], [0, 0, 1, 1], [], []>, transpose_lhs_hint = false} : vector<1x72xf32>, vector<72x4096xf32>, vector<1x4096xf32> -> vector<1x4096xf32>
    %mul3A_20 = arith.mulf %dot_general3A_14, %dot_general3A_14 : vector<1x4096xf32>
    %sub3A = arith.subf %dot_general3A_19, %mul3A_20 : vector<1x4096xf32>
    %slice3A = vector.extract_strided_slice %dot_general3A_9 {offsets = [64, 0], sizes = [1, 4096], strides = [1, 1]} : vector<72x4096xf32> to vector<1x4096xf32>
    %mul3A_21 = arith.constant 9.99999974E-6 : f32
    %mul3A_22 = vector.broadcast %mul3A_21 : f32 to vector<1x4096xf32>
    %mul3A_23 = arith.mulf %mul3A_22, %slice3A : vector<1x4096xf32>
    %mul3A_24 = arith.mulf %mul3A_23, %slice3A : vector<1x4096xf32>
    %add3A = arith.addf %sub3A, %mul3A_24 : vector<1x4096xf32>
    %rsqrt3A = math.rsqrt %add3A : vector<1x4096xf32>
    %slice3A_25 = vector.extract_strided_slice %dot_general3A_9 {offsets = [0, 0], sizes = [64, 4096], strides = [1, 1]} : vector<72x4096xf32> to vector<64x4096xf32>
    %sub3A_26 = vector.broadcast %dot_general3A_14 : vector<1x4096xf32> to vector<64x4096xf32>
    %sub3A_27 = arith.subf %slice3A_25, %sub3A_26 : vector<64x4096xf32>
    %mul3A_28 = vector.broadcast %rsqrt3A : vector<1x4096xf32> to vector<64x4096xf32>
    %mul3A_29 = arith.mulf %sub3A_27, %mul3A_28 : vector<64x4096xf32>
    %broadcast_in_dim3A = arith.constant 1.000000e+00 : f32
    %broadcast_in_dim3A_30 = vector.broadcast %broadcast_in_dim3A : f32 to vector<8x4096xf32>
    %concatenate3A = tpu.concatenate %mul3A_29, %broadcast_in_dim3A_30 in 0 : vector<64x4096xf32>, vector<8x4096xf32> -> vector<72x4096xf32>
    %get3A_31 = arith.constant 0 : index
    %get3A_32 = arith.constant 0 : index
    %get3A_33 = vector.load %arg4[%get3A_31, %get3A_32] : memref<128x72xf32, #tpu.memory_space<vmem>>, vector<128x72xf32>
    %dot_general3A_34 = arith.constant dense<0.000000e+00> : vector<128x4096xf32>
    %dot_general3A_35 = tpu.matmul %get3A_33, %concatenate3A, %dot_general3A_34 {dimension_numbers = #tpu.dot_dimension_numbers<[1], [0], [0], [1], [0, 0, 1, 1], [], []>, transpose_lhs_hint = false} : vector<128x72xf32>, vector<72x4096xf32>, vector<128x4096xf32> -> vector<128x4096xf32>
    %max3A = arith.constant 0.000000e+00 : f32
    %max3A_36 = vector.broadcast %max3A : f32 to vector<128x4096xf32>
    %max3A_37 = arith.maximumf %dot_general3A_35, %max3A_36 : vector<128x4096xf32>
    %broadcast_in_dim3A_38 = arith.constant 1.000000e+00 : f32
    %broadcast_in_dim3A_39 = vector.broadcast %broadcast_in_dim3A_38 : f32 to vector<8x4096xf32>
    %concatenate3A_40 = tpu.concatenate %max3A_37, %broadcast_in_dim3A_39 in 0 : vector<128x4096xf32>, vector<8x4096xf32> -> vector<136x4096xf32>
    %get3A_41 = arith.constant 0 : index
    %get3A_42 = arith.constant 0 : index
    %get3A_43 = vector.load %arg5[%get3A_41, %get3A_42] : memref<128x136xf32, #tpu.memory_space<vmem>>, vector<128x136xf32>
    %dot_general3A_44 = arith.constant dense<0.000000e+00> : vector<128x4096xf32>
    %dot_general3A_45 = tpu.matmul %get3A_43, %concatenate3A_40, %dot_general3A_44 {dimension_numbers = #tpu.dot_dimension_numbers<[1], [0], [0], [1], [0, 0, 1, 1], [], []>, transpose_lhs_hint = false} : vector<128x136xf32>, vector<136x4096xf32>, vector<128x4096xf32> -> vector<128x4096xf32>
    %max3A_46 = arith.constant 0.000000e+00 : f32
    %max3A_47 = vector.broadcast %max3A_46 : f32 to vector<128x4096xf32>
    %max3A_48 = arith.maximumf %dot_general3A_45, %max3A_47 : vector<128x4096xf32>
    %get3A_49 = arith.constant 0 : index
    %get3A_50 = arith.constant 0 : index
    %get3A_51 = vector.load %arg6[%get3A_49, %get3A_50] : memref<1x128xf32, #tpu.memory_space<vmem>>, vector<1x128xf32>
    %dot_general3A_52 = arith.constant dense<0.000000e+00> : vector<1x4096xf32>
    %dot_general3A_53 = tpu.matmul %get3A_51, %max3A_48, %dot_general3A_52 {dimension_numbers = #tpu.dot_dimension_numbers<[1], [0], [0], [1], [0, 0, 1, 1], [], []>, transpose_lhs_hint = false} : vector<1x128xf32>, vector<128x4096xf32>, vector<1x4096xf32> -> vector<1x4096xf32>
    %get3A_54 = arith.constant 0 : index
    %get3A_55 = arith.constant 0 : index
    %get3A_56 = vector.load %arg7[%get3A_54, %get3A_55] : memref<1x128xf32, #tpu.memory_space<vmem>>, vector<1x128xf32>
    %dot_general3A_57 = arith.constant dense<0.000000e+00> : vector<1x4096xf32>
    %dot_general3A_58 = tpu.matmul %get3A_56, %max3A_48, %dot_general3A_57 {dimension_numbers = #tpu.dot_dimension_numbers<[1], [0], [0], [1], [0, 0, 1, 1], [], []>, transpose_lhs_hint = false} : vector<1x128xf32>, vector<128x4096xf32>, vector<1x4096xf32> -> vector<1x4096xf32>
    %get3A_59 = arith.constant 0 : index
    %get3A_60 = arith.constant 0 : index
    %get3A_61 = vector.load %arg7[%get3A_59, %get3A_60] : memref<1x128xf32, #tpu.memory_space<vmem>>, vector<1x128xf32>
    %mul3A_62 = arith.mulf %max3A_48, %max3A_48 : vector<128x4096xf32>
    %dot_general3A_63 = arith.constant dense<0.000000e+00> : vector<1x4096xf32>
    %dot_general3A_64 = tpu.matmul %get3A_61, %mul3A_62, %dot_general3A_63 {dimension_numbers = #tpu.dot_dimension_numbers<[1], [0], [0], [1], [0, 0, 1, 1], [], []>, transpose_lhs_hint = false} : vector<1x128xf32>, vector<128x4096xf32>, vector<1x4096xf32> -> vector<1x4096xf32>
    %mul3A_65 = arith.mulf %dot_general3A_58, %dot_general3A_58 : vector<1x4096xf32>
    %sub3A_66 = arith.subf %dot_general3A_64, %mul3A_65 : vector<1x4096xf32>
    %add3A_67 = arith.constant 9.99999974E-6 : f32
    %add3A_68 = vector.broadcast %add3A_67 : f32 to vector<1x4096xf32>
    %add3A_69 = arith.addf %sub3A_66, %add3A_68 : vector<1x4096xf32>
    %rsqrt3A_70 = math.rsqrt %add3A_69 : vector<1x4096xf32>
    %get3A_71 = arith.constant 0 : index
    %get3A_72 = arith.constant 0 : index
    %get3A_73 = vector.load %arg8[%get3A_71, %get3A_72] : memref<1x1xf32, #tpu.memory_space<vmem>>, vector<1x1xf32>
    %get3A_74 = vector.extract %get3A_73[0, 0] : f32 from vector<1x1xf32>
    %mul3A_75 = vector.broadcast %get3A_74 : f32 to vector<1x4096xf32>
    %mul3A_76 = arith.mulf %dot_general3A_58, %mul3A_75 : vector<1x4096xf32>
    %sub3A_77 = arith.subf %dot_general3A_53, %mul3A_76 : vector<1x4096xf32>
    %mul3A_78 = arith.mulf %rsqrt3A_70, %sub3A_77 : vector<1x4096xf32>
    %get3A_79 = arith.constant 0 : index
    %get3A_80 = arith.constant 0 : index
    %get3A_81 = vector.load %arg9[%get3A_79, %get3A_80] : memref<1x1xf32, #tpu.memory_space<vmem>>, vector<1x1xf32>
    %get3A_82 = vector.extract %get3A_81[0, 0] : f32 from vector<1x1xf32>
    %add3A_83 = vector.broadcast %get3A_82 : f32 to vector<1x4096xf32>
    %add3A_84 = arith.addf %mul3A_78, %add3A_83 : vector<1x4096xf32>
    %reduce_max3A = vector.shape_cast %add3A_84 : vector<1x4096xf32> to vector<1x1x4096xf32>
    %reduce_max3A_85 = arith.constant dense<0xFF800000> : vector<1xf32>
    %reduce_max3A_86 = vector.multi_reduction <maximumf>, %reduce_max3A, %reduce_max3A_85 [1, 2] : vector<1x1x4096xf32> to vector<1xf32>
    %reduce_max3A_87 = vector.shape_cast %reduce_max3A_86 : vector<1xf32> to vector<1x1x1xf32>
    %reduce_max3A_88 = vector.extract %reduce_max3A_87[0, 0, 0] : f32 from vector<1x1x1xf32>
    %sub3A_89 = vector.broadcast %reduce_max3A_88 : f32 to vector<1x4096xf32>
    %sub3A_90 = arith.subf %add3A_84, %sub3A_89 : vector<1x4096xf32>
    %exp3A = math.exp %sub3A_90 : vector<1x4096xf32>
    %reduce_sum3A = vector.shape_cast %exp3A : vector<1x4096xf32> to vector<1x1x4096xf32>
    %reduce_sum3A_91 = arith.constant dense<0.000000e+00> : vector<1xf32>
    %reduce_sum3A_92 = vector.multi_reduction <add>, %reduce_sum3A, %reduce_sum3A_91 [1, 2] : vector<1x1x4096xf32> to vector<1xf32>
    %reduce_sum3A_93 = vector.shape_cast %reduce_sum3A_92 : vector<1xf32> to vector<1x1x1xf32>
    %reduce_sum3A_94 = vector.extract %reduce_sum3A_93[0, 0, 0] : f32 from vector<1x1x1xf32>
    %div3A = vector.broadcast %reduce_sum3A_94 : f32 to vector<1x4096xf32>
    %div3A_95 = arith.divf %exp3A, %div3A : vector<1x4096xf32>
    %swap3A = arith.constant 0 : index
    %swap3A_96 = arith.constant 0 : index
    %swap3A_97 = arith.constant 0 : index
    %swap3A_98 = vector.load %arg10[%swap3A, %swap3A_96, %swap3A_97] : memref<1x1x4096xf32, #tpu.memory_space<vmem>>, vector<1x1x4096xf32>
    %swap3A_99 = vector.shape_cast %swap3A_98 : vector<1x1x4096xf32> to vector<1x4096xf32>
    %swap3A_100 = vector.shape_cast %div3A_95 : vector<1x4096xf32> to vector<1x1x4096xf32>
    tpu.vector_store %arg10[%swap3A, %swap3A_96, %swap3A_97], %swap3A_100 {strides = array<i32>} : memref<1x1x4096xf32, #tpu.memory_space<vmem>>, vector<1x1x4096xf32>,
    return
  }
  func.func @transform_0(%arg0: i32) -> (i32, i32, i32) {
    %c0_i32 = arith.constant 0 : i32
    %c0_i32_0 = arith.constant 0 : i32
    %c0_i32_1 = arith.constant 0 : i32
    return %arg0, %c0_i32, %c0_i32_0 : i32, i32, i32
  }
  func.func @transform_1(%arg0: i32) -> (i32, i32, i32) {
    %c0_i32 = arith.constant 0 : i32
    %c0_i32_0 = arith.constant 0 : i32
    %c0_i32_1 = arith.constant 0 : i32
    return %arg0, %c0_i32, %c0_i32_0 : i32, i32, i32
  }
  func.func @transform_2(%arg0: i32) -> (i32, i32) {
    %c0_i32 = arith.constant 0 : i32
    %c0_i32_0 = arith.constant 0 : i32
    %c0_i32_1 = arith.constant 0 : i32
    return %c0_i32, %c0_i32_0 : i32, i32
  }
  func.func @transform_3(%arg0: i32) -> (i32, i32) {
    %c0_i32 = arith.constant 0 : i32
    %c0_i32_0 = arith.constant 0 : i32
    %c0_i32_1 = arith.constant 0 : i32
    return %c0_i32, %c0_i32_0 : i32, i32
  }
  func.func @transform_4(%arg0: i32) -> (i32, i32) {
    %c0_i32 = arith.constant 0 : i32
    %c0_i32_0 = arith.constant 0 : i32
    %c0_i32_1 = arith.constant 0 : i32
    return %c0_i32, %c0_i32_0 : i32, i32
  }
  func.func @transform_5(%arg0: i32) -> (i32, i32) {
    %c0_i32 = arith.constant 0 : i32
    %c0_i32_0 = arith.constant 0 : i32
    %c0_i32_1 = arith.constant 0 : i32
    return %c0_i32, %c0_i32_0 : i32, i32
  }
  func.func @transform_6(%arg0: i32) -> (i32, i32) {
    %c0_i32 = arith.constant 0 : i32
    %c0_i32_0 = arith.constant 0 : i32
    %c0_i32_1 = arith.constant 0 : i32
    return %c0_i32, %c0_i32_0 : i32, i32
  }
  func.func @transform_7(%arg0: i32) -> (i32, i32) {
    %c0_i32 = arith.constant 0 : i32
    %c0_i32_0 = arith.constant 0 : i32
    %c0_i32_1 = arith.constant 0 : i32
    return %c0_i32, %c0_i32_0 : i32, i32
  }
  func.func @transform_8(%arg0: i32) -> (i32, i32) {
    %c0_i32 = arith.constant 0 : i32
    %c0_i32_0 = arith.constant 0 : i32
    %c0_i32_1 = arith.constant 0 : i32
    return %c0_i32, %c0_i32_0 : i32, i32
  }
  func.func @transform_9(%arg0: i32) -> (i32, i32, i32) {
    %c0_i32 = arith.constant 0 : i32
    %c0_i32_0 = arith.constant 0 : i32
    %c0_i32_1 = arith.constant 0 : i32
    return %arg0, %c0_i32, %c0_i32_0 : i32, i32, i32
  }
}

</mosaic_0001>

<sc_bundles>
// kernel: kernel.4.cloned.1.call-start
scs
__scs_entry_jumppad:
0x0: {  	(pc) =	sbr.rel $0x88, $3  }
0x1: {  	(tag) =	ssettag $0x0;
	lr =	simm.s32 $0x1  }
0x2: {  	[smem:$0x3F93] =	sst lr;
	_ =	strace $0xD0000000  }
0x3: {  	_ = 	snop  }
0x4: {  	_ = 	snop  }
0x5: {  	_ = 	snop  }
0x6: {  	_ = 	snop  }
0x7: {  	_ = 	snop  }
__scs_overlays_trampoline_lowered:
0x8: {  	[smem:$0x3FA2] =	sst s0  }
0x9: {  	[smem:$0x3FA3] =	sst s1  }
0xa: {  	[smem:$0x3FA4] =	sst s2  }
0xb: {  	[smem:$0x3FA5] =	sst s3  }
0xc: {  	[smem:$0x3FA6] =	sst s4  }
0xd: {  	[smem:$0x3FA7] =	sst s5  }
0xe: {  	[smem:$0x3FA8] =	sst s6  }
0xf: {  	[smem:$0x3FA9] =	sst s7  }
0x10: {  	[smem:$0x3FAA] =	sst s8  }
0x11: {  	[smem:$0x3FAB] =	sst s9;
	s0 =	simm.s32 @!p0 $0x0  }
0x12: {  	s1 =	sld [smem:$0x3F91];
	s0 =	simm.s32 @p0 $0x1  }
0x13: {  	[smem:$0x3FAC] =	sst s0;
	s0 =	simm.s32 @!p1 $0x0  }
0x14: {  	s2 =	sld [smem:$0x3F90];
	s0 =	simm.s32 @p1 $0x1  }
0x15: {  	[smem:$0x3FAD] =	sst s0;
	s0 =	simm.s32 @!p2 $0x0  }
0x16: {  	s3 =	sld [smem:$0x3FDB];
	s0 =	simm.s32 @p2 $0x1  }
0x17: {  	s4 =	simm.s32 $0x1BF5;
	[smem:$0x3FAF] =	sst s0  }
0x18: {  	s0 =	sld [smem:$0x3F92];
	_ =	swait.ge [sflag:s4], $0x0  }
0x19: {  	s7 =	sld [smem:$0x3F93]  }
0x1a: {  	s8 =	sadd.s32 $0xFFFFE003, lr  }
0x1b: {  	s9 =	sadd.s32 $0xFFFFFEF7, lr;
	s5 =	simm.s32 $0xFFFFFFFF;
	p2 =	slt.u32 s8, $0xFFFFF086  }
0x1c: {  	p1 =	slt.u32 s9, $0xF7A;
	s5 =	simm.s32 @!p2 $0x0  }
0x1d: {  	s5 =	simm.s32 @p1 $0x1;
	p0 =	seq.s32 s7, s2  }
0x1e: {  	s7 =	smul.u32 @!p0 $0xF7A, s2;
	p2 =	seq.s32 @!p0 s5, $0x0  }
0x1f: {  	s9 =	smul.u32 $0xF7A, s1;
	s8 =	simm.s32 @!p0 $0x1BF5;
	p2 =	por !p2, p0  }
0x20: {  	[sflag:s8] =	ssyncset.s32 @!p0 $0xFFFFF086;
	s6 =	sadd.s32 @!p0 s3, s7;
	s7 =	simm.s32 @!p0 $0x108  }
0x21: {  	s3 =	sadd.s32 s3, s9;
	s6 =	sadd.s32 @!p0 $0x88, s6;
	s7 =	simm.s32 @p2 $0x1082  }
0x22: {  	[simem:s7], [sflag:s8] =	dma.local @!p0 [hbm:s6], $0xF7A  }
0x23: {  	s9 =	sor.u32 $0xD0000000, s2;
	s6 =	simm.s32 $0x108;
	_ =	swait.ge @!p0 [sflag:s8], $0x0  }
0x24: {  	s3 =	sadd.s32 $0x88, s3;
	s6 =	simm.s32 @!p1 $0x1082;
	[sflag:s4] =	ssyncset.s32 $0xFFFFF086  }
0x25: {  	[simem:s6], [sflag:s4] =	dma.local [hbm:s3], $0xF7A  }
0x26: {  	[smem:$0x3F93] =	sst s1;
	(tag) =	ssettag s2;
	_ =	strace s9  }
0x27: {  	s1 =	sld [smem:$0x3FA3]  }
0x28: {  	s2 =	sld [smem:$0x3FA4]  }
0x29: {  	s4 =	sld [smem:$0x3FA6]  }
0x2a: {  	p0 =	seq.s32 s5, $0x0;
	s5 =	sld [smem:$0x3FA7]  }
0x2b: {  	s6 =	sld [smem:$0x3FA8]  }
0x2c: {  	s7 =	sld [smem:$0x3FA9]  }
0x2d: {  	s3 =	simm.s32 $0x108;
	s8 =	sld [smem:$0x3FAA]  }
0x2e: {  	s3 =	simm.s32 @!p0 $0x1082;
	s9 =	sld [smem:$0x3FAB]  }
0x2f: {  	lr =	sadd.s32 s0, s3;
	s0 =	sld [smem:$0x3FA2]  }
0x30: {  	s3 =	sld [smem:$0x3FA5]  }
0x31: {  	[smem:$0x3FAE] =	sst s10  }
0x32: {  	s10 =	sld [smem:$0x3FAC];
	_ =	sdelay $0x3  }
0x33: {  	p0 =	seq.s32 s10, $0x1;
	s10 =	sld [smem:$0x3FAE];
	_ =	sdelay $0x3  }
0x34: {  	[smem:$0x3FAE] =	sst s10  }
0x35: {  	s10 =	sld [smem:$0x3FAD];
	_ =	sdelay $0x3  }
0x36: {  	p1 =	seq.s32 s10, $0x1;
	s10 =	sld [smem:$0x3FAE];
	_ =	sdelay $0x3  }
0x37: {  	[smem:$0x3FAE] =	sst s10  }
0x38: {  	s10 =	sld [smem:$0x3FAF]  }
0x39: {  	_ = 	snop;
	(pc) =	sbr.ind lr, $3  }
0x3a: {  	_ = 	snop  }
0x3b: {  	_ = 	snop  }
0x3c: {  	p2 =	seq.s32 s10, $0x1;
	s10 =	sld [smem:$0x3FAE]  }
0x3d: {  	_ =	shalt  }
0x3e: {  	_ =	shalt  }
0x3f: {  	_ =	shalt  }
0x40: {  	_ =	shalt  }
0x41: {  	_ =	shalt  }
0x42: {  	_ =	shalt  }
0x43: {  	_ =	shalt  }
0x44: {  	_ =	shalt  }
0x45: {  	_ =	shalt  }
0x46: {  	_ =	shalt  }
0x47: {  	_ =	shalt  }
0x48: {  	_ =	shalt  }
0x49: {  	_ =	shalt  }
0x4a: {  	_ =	shalt  }
0x4b: {  	_ =	shalt  }
0x4c: {  	_ =	shalt  }
0x4d: {  	_ =	shalt  }
0x4e: {  	_ =	shalt  }
0x4f: {  	_ =	shalt  }
0x50: {  	_ =	shalt  }
0x51: {  	_ =	shalt  }
0x52: {  	_ =	shalt  }
0x53: {  	_ =	shalt  }
0x54: {  	_ =	shalt  }
0x55: {  	_ =	shalt  }
0x56: {  	_ =	shalt  }
0x57: {  	_ =	shalt  }
0x58: {  	_ =	shalt  }
0x59: {  	_ =	shalt  }
0x5a: {  	_ =	shalt  }
0x5b: {  	_ =	shalt  }
0x5c: {  	_ =	shalt  }
0x5d: {  	_ =	shalt  }
0x5e: {  	_ =	shalt  }
0x5f: {  	_ =	shalt  }
0x60: {  	_ =	shalt  }
0x61: {  	_ =	shalt  }
0x62: {  	_ =	shalt  }
0x63: {  	_ =	shalt  }
0x64: {  	_ =	shalt  }
0x65: {  	_ =	shalt  }
0x66: {  	_ =	shalt  }
0x67: {  	_ =	shalt  }
0x68: {  	_ =	shalt  }
0x69: {  	_ =	shalt  }
0x6a: {  	_ =	shalt  }
0x6b: {  	_ =	shalt  }
0x6c: {  	_ =	shalt  }
0x6d: {  	_ =	shalt  }
0x6e: {  	_ =	shalt  }
0x6f: {  	_ =	shalt  }
0x70: {  	_ =	shalt  }
0x71: {  	_ =	shalt  }
0x72: {  	_ =	shalt  }
0x73: {  	_ =	shalt  }
0x74: {  	_ =	shalt  }
0x75: {  	_ =	shalt  }
0x76: {  	_ =	shalt  }
0x77: {  	_ =	shalt  }
0x78: {  	_ =	shalt  }
0x79: {  	_ =	shalt  }
0x7a: {  	_ =	shalt  }
0x7b: {  	_ =	shalt  }
0x7c: {  	_ =	shalt  }
0x7d: {  	_ =	shalt  }
0x7e: {  	_ =	shalt  }
0x7f: {  	_ =	shalt  }
0x80: {  	_ =	shalt  }
0x81: {  	_ =	shalt  }
0x82: {  	_ =	shalt  }
0x83: {  	_ =	shalt  }
0x84: {  	_ =	shalt  }
0x85: {  	_ =	shalt  }
0x86: {  	_ =	shalt  }
0x87: {  	_ =	shalt  }
.Lfunc_end0:
.L_simem_size_0:
called_computation_lowered:
.L_overlay_start_0:
0x88: {  	s2 =	sld [smem:$0x3FD9]  }
0x89: {  	s3 =	sld [smem:$0x3FFE];
	_ =	sdelay $0x1  }
0x8a: {  	s1 =	srdreg.scid  }
0x8b: {  	s0 =	sand.u32 $0x1, s1  }
0x8c: {  	s15 =	sshll.u32 s0, $0xA;
	s2 =	sadd.s32 s3, s2  }
0x8d: {  	s2 =	sadd.s32 s2, s15  }
0x8e: {  	[smem:$0x3FBA] =	sst s2  }
0x8f: {  	_ = 	snop  }
0x90: {  	s2 =	sld [smem:$0x3FD0];
	_ =	sdelay $0x2  }
0x91: {  	s4 =	simm.s32 $0xA;
	s5 =	simm.s32 $0x10;
	s16 =	sld [smem:$0x3FC6]  }
0x92: {  	[smem:s5], [sflag:s4] =	dma.local [hbm:s2], $0x1  }
0x93: {  	_ =	swait.eq [sflag:s4], $0x1  }
0x94: {  	[sflag:s4] =	ssyncset.done $0x0  }
0x95: {  	s17 =	sld [smem:$0x10];
	[sflag:s4] =	ssyncadd.s32 $0xFFFFFFFF  }
0x96: {  	s18 =	sld [smem:$0x11];
	(tm) =	ssettm $0x1  }
0x97: {  	s19 =	sld [smem:$0x3FFB];
	_ =	sdelay $0x3  }
0x98: {  	_ =	strace s19  }
0x99: {  	s5 =	sld [smem:$0x3FFC];
	_ =	sdelay $0x3  }
0x9a: {  	_ =	strace s5  }
0x9b: {  	s5 =	sld [smem:$0x3FFD];
	_ =	sdelay $0x3  }
0x9c: {  	_ =	strace s5  }
0x9d: {  	_ =	strace $0x8FFFFFFF  }
0x9e: {  	s20 =	sld [smem:$0x3FDB];
	_ =	sdelay $0x1  }
0x9f: {  	s6 =	simm.s32 $_scs_section_size  }
0xa0: {  	s7 =	simm.s32 $_size__tile_overlayer_lowered;
	s8 =	simm.s32 $_tile_overlayer_lowered  }
0xa1: {  	s23 =	simm.s32 $0x1BFF;
	s22 =	sshll.u32 s8, $0x1;
	s5 =	sadd.s32 s6, s20  }
0xa2: {  	s9 =	simm.s32 $0x0;
	s21 =	sshll.u32 s7, $0x1;
	s7 =	sadd.s32 s22, s5  }
0xa3: {  	[timem:s9], [sflag:s23] =	dma.local [hbm:s7], s21  }
0xa4: {  	_ =	swait.ge [sflag:s23], s21  }
0xa5: {  	s6 =	ssub.s32 $0x0, s21;
	[sflag:s23] =	ssyncset.done $0x0  }
0xa6: {  	[sflag:s23] =	ssyncadd.s32 s6;
	_ =	sdelay $0x1  }
0xa7: {  	s24 =	simm.s32 $0x1B8B  }
0xa8: {  	_ =	swait.ge [sflag:s24], $0x1  }
0xa9: {  	[sflag:s24] =	ssyncset.done $0x0  }
0xaa: {  	s25 =	simm.s32 $0x1B8E;
	[sflag:s24] =	ssyncadd.s32 $0xFFFFFFFF  }
0xab: {  	s26 =	simm.s32 $execute0_lowered;
	[smem:$0x3FD2] =	sst s25  }
0xac: {  	s6 =	sshll.u32 s26, $0x1;
	_ =	strace $0x80000046;
	[dreg:$0x1] =	wrdreg $0xFFFFFFFF  }
0xad: {  	s28 =	simm.s32 $_size_execute0_lowered;
	s5 =	sadd.s32 s5, s6;
	[dreg:$0x0] =	wrdreg $0x0  }
0xae: {  	s6 =	sshll.u32 s28, $0x1;
	[dreg:$0x2] =	wrdreg s5  }
0xaf: {  	[dreg:$0x3] =	wrdreg s6  }
0xb0: {  	[dreg:$0x4] =	wrdreg $0xC0  }
0xb1: {  	_ =	task [dreg:s9], $0x5FFFF  }
0xb2: {  	[dreg:$0x1] =	wrdreg $0xFFFFFFFF  }
0xb3: {  	[dreg:$0x0] =	wrdreg $0x60  }
0xb4: {  	[dreg:$0x2] =	wrdreg s16  }
0xb5: {  	[dreg:$0x3] =	wrdreg s18  }
0xb6: {  	[dreg:$0x4] =	wrdreg s17  }
0xb7: {  	[dreg:$0x5] =	wrdreg $0x9  }
0xb8: {  	_ =	task.clear_ibuf [dreg:s9], $0x6FFFF;
	_ =	strace $0x90000046  }
0xb9: {  	s29 =	simm.s32 $0x9;
	_ =	strace $0x80000048  }
0xba: {  	_ =	swait.ge [sflag:s29], $0x1  }
0xbb: {  	[sflag:s29] =	ssyncadd.s32 $0xFFFFFFFF  }
0xbc: {  	_ =	strace $0x90000048  }
0xbd: {  	_ =	sfence  }
0xbe: {  	s30 =	sld [smem:$0x0];
	_ =	sdelay $0x2  }
0xbf: {  	s31 =	sshll.u32 s1, $0xD;
	s1 =	sshrl.u32 s1, $0x2  }
0xc0: {  	s3 =	sand.u32 $0x4000, s31;
	s1 =	sadd.s32 s1, s30  }
0xc1: {  	s0 =	sor.u32 s3, s0;
	s1 =	sshll.u32 s1, $0x11  }
0xc2: {  	s0 =	sor.u32 s1, s0  }
0xc3: {  	s0 =	sadd.s32 $0x8F2B, s0  }
0xc4: {  	[sflag:s0] =	ssyncadd.remote.s32 $0x1  }
0xc5: {  	_ =	sfence.sel $0xFFFF  }
0xc6: {  	[dreg:$0x0] =	wrdreg $0xFFFFFFFF;
	(pc) =	sbr.abs _section_cstart, $3  }
0xc7: {  	[dreg:$0x1] =	wrdreg $0xFFFFFFFF  }
0xc8: {  	_ =	task.clear_ibuf [dreg:s9], $0x2FFFF;
	_ =	strace $0x9FFFFFFF  }
0xc9: {  	(tm) =	ssettm $0x7FFFFFFF  }
tec
execute0_lowered:
.L_overlay_start_1:
0x0: {  	(tag) =	ssettag $0x1  }
0x1: {  	s3 =	rddreg [dreg:$0x0]  }
0x2: {  	s4 =	rddreg [dreg:$0x1]  }
0x3: {  	s5 =	rddreg [dreg:$0x2];
	s2 =	simm.s32 $0x0  }
0x4: {  	s6 =	srdreg.scid;
	s0 =	stileid.u32;
	s12 =	simm.s32 $0x13000  }
0x5: {  	s13 =	simm.s32 $0x0;
	[smem:$0x7FF] =	sst s2;
	s6 =	sand.u32 $0x1, s6  }
0x6: {  	s7 =	sshll.u32 s0, $0x1;
	s8 =	sshrl.u32 s0, $0x2;
	_ =	strace $0x80000047  }
0x7: {  	s7 =	sor.u32 s6, s7;
	s6 =	ssub.s32 $0x2, s6;
	s11 =	sshll.u32 s8, $0xF  }
0x8: {  	s8 =	sshll.u32 s8, $0xC;
	s9 =	sshll.u32 s7, $0x7;
	s10 =	sshrl.u32 s6, $0x1  }
0x9: {  	s7 =	sshll.u32 s7, $0xD;
	s9 =	sand.u32 $0x380, s9;
	s6 =	ssub.s32 s6, s10  }
0xa: {  	s3 =	sadd.s32 s3, s7;
	s7 =	simm.s32 $0x1;
	s30 =	sor.u32 s11, s9  }
0xb: {  	s8 =	sor.u32 s8, s9;
	s6 =	smax.u32 s6, $0x1;
	s9 =	simm.s32 $0x400  }
0xc: {  	v1 =	vlaneseq.u32;
	s11 =	simm.s32 $0x11000;
	s10 =	sshrl.u32 s30, $0x3;
	s31 =	sshrl.u32 s8, $0x3  }
0xd: {  	v0 =	vimm.f32 $0.0e+00;
	v1 =	vmul.u32 $0x200, v1;
	s8 =	simm.s32 $0x80;
	s4 =	sadd.s32 s4, s10;
	s5 =	sadd.s32 s5, s31  }
.LBB2_1:
0xe: {  	[tilespmem:s2], [sflag:$0x1] =	stream.linear.gather [hbm4b:s3+s2], $0x10000, $0x38;
	[tilespmem:$0x13200] =	vst v63  }
0xf: {  	_ =	swait.ge [sflag:s7], $0x10000  }
0x10: {  	[sflag:s7] =	ssyncset.done $0x0  }
0x11: {  	s0 =	simm.s32 $0x10000;
	[sflag:s7] =	ssyncadd.s32 $0xFFFF0000  }
0x12: {  	[tilespmem:s0], [sflag:$0x1] =	stream.strided.gather [hbm4b:s4+s8], $0x1000, s9, s8, $0x38;
	[tilespmem:$0x13200] =	vst v63  }
0x13: {  	_ =	swait.ge [sflag:s7], $0x1000  }
0x14: {  	[sflag:s7] =	ssyncset.done $0x0  }
0x15: {  	s15 =	simm.s32 $0x11040;
	[sflag:s7] =	ssyncadd.s32 $0xFFFFF000  }
0x16: {  	[tilespmem:s15+$0xFFFFFFC0] =	vst v0  }
0x17: {  	[tilespmem:s15+$0x30] =	vst v0  }
0x18: {  	[tilespmem:s15+$0x20] =	vst v0  }
0x19: {  	[tilespmem:s15+$0x10] =	vst v0  }
0x1a: {  	[tilespmem:s15+$0x0] =	vst v0  }
0x1b: {  	[tilespmem:s15+$0xFFFFFFF0] =	vst v0  }
0x1c: {  	s17 =	simm.s32 $0x0;
	s16 =	simm.s32 $0x10;
	s14 =	simm.s32 $0x10010;
	[tilespmem:s15+$0xFFFFFFE0] =	vst v0  }
.LBB2_2:
0x1d: {  	s17 =	sadd.s32 $0x8, s17;
	[tilespmem:s15+$0xFFFFFFD0] =	vst v0;
	s15 =	sadd.s32 $0x80, s15  }
0x1e: {  	[tilespmem:s15+$0xFFFFFFC0] =	vst v0;
	p0 =	slt.u32 s17, $0x1F8  }
0x1f: {  	[tilespmem:s15+$0x30] =	vst v0  }
.Ltmp0:
0x20: {  	[tilespmem:s15+$0x20] =	vst v0;
	(pc) =	sbr.rel @p0 .LBB2_2-.Ltmp0, $4  }
0x21: {  	[tilespmem:s15+$0x10] =	vst v0  }
0x22: {  	[tilespmem:s15+$0x0] =	vst v0  }
0x23: {  	[tilespmem:s15+$0xFFFFFFF0] =	vst v0  }
0x24: {  	[tilespmem:s15+$0xFFFFFFE0] =	vst v0  }
0x25: {  	s20 =	simm.s32 $0x0  }
0x26: {  	s18 =	sand.u32 $0x70, s16;
	s19 =	sand.u32 $0x1F00, s20  }
0x27: {  	[tilespmem:s15+$0xFFFFFFD0] =	vst v0;
	s31 =	sor.u32 s18, s19  }
0x28: {  	v2 =	vld [tilespmem:s31+$0x0];
	_ =	sdelay $0x4  }
0x29: {  	v2 =	vmax.f32 v2, $0.0e+00  }
0x2a: {  	s0 =	simm.s32 $0x0;
	v2 =	vmin.f32 v2, $5.110000000e+02  }
0x2b: {  	s17 =	sand.u32 $0x60, s0;
	s1 =	sand.u32 $0xFFFFFF80, s20;
	v2 =	vadd.f32 $5.000000000e-01, v2  }
0x2c: {  	v5 =	vld [tilespmem:s14+$0x0];
	s15 =	sor.u32 s17, s19;
	s10 =	sor.u32 s18, s1  }
0x2d: {  	v3 =	vld [tilespmem:s15+$0x0];
	s15 =	sor.u32 $0x80, s10;
	v2 =	vtrunc.f32 v2  }
0x2e: {  	v4 =	vld [tilespmem:s15+$0x0];
	v2 =	vcvt.f32.s32 v2;
	_ =	sdelay $0x1  }
0x2f: {  	v2 =	vadd.s32 v1, v2;
	_ =	sdelay $0x1  }
0x30: {  	v3 =	vmax.f32 v3, $0.0e+00  }
0x31: {  	v3 =	vmin.f32 v3, $5.110000000e+02;
	v4 =	vmul.f32 v4, v5  }
0x32: {  	v7 =	vld [tilespmem:s14+$0xFFFFFFF0];
	s20 =	sor.u32 $0x2000, s19;
	v3 =	vadd.f32 $5.000000000e-01, v3  }
0x33: {  	s16 =	sor.u32 s17, s1;
	s21 =	sor.u32 s18, s20;
	[tilespmem:v2+s11+$0x0] =	vst.idx.add.f32.msk $0xffff, v4  }
0x34: {  	s15 =	sor.u32 $0x80, s16;
	v2 =	vtrunc.f32 v3;
	v3 =	vld [tilespmem:s21+$0x0]  }
0x35: {  	v6 =	vld [tilespmem:s15+$0x0];
	v2 =	vcvt.f32.s32 v2;
	_ =	sdelay $0x1  }
0x36: {  	v2 =	vadd.s32 v1, v2;
	_ =	sdelay $0x1  }
0x37: {  	v3 =	vmax.f32 v3, $0.0e+00  }
0x38: {  	v4 =	vmul.f32 v6, v7;
	v3 =	vmin.f32 v3, $5.110000000e+02  }
0x39: {  	v3 =	vadd.f32 $5.000000000e-01, v3  }
0x3a: {  	s23 =	sor.u32 $0x2080, s19;
	s22 =	sor.u32 s17, s20;
	[tilespmem:v2+s11+$0x0] =	vst.idx.add.f32.msk $0xffff, v4  }
0x3b: {  	s24 =	sor.u32 s18, s23;
	v2 =	vld [tilespmem:s22+$0x0];
	v3 =	vtrunc.f32 v3  }
0x3c: {  	v4 =	vld [tilespmem:s24+$0x0];
	v3 =	vcvt.f32.s32 v3;
	_ =	sdelay $0x1  }
0x3d: {  	v3 =	vadd.s32 v1, v3;
	_ =	sdelay $0x1  }
0x3e: {  	v2 =	vmax.f32 v2, $0.0e+00  }
0x3f: {  	v4 =	vmul.f32 v4, v5;
	v2 =	vmin.f32 v2, $5.110000000e+02  }
0x40: {  	s25 =	sor.u32 $0x4000, s19;
	v2 =	vadd.f32 $5.000000000e-01, v2  }
0x41: {  	s26 =	sor.u32 s18, s25;
	[tilespmem:v3+s11+$0x0] =	vst.idx.add.f32.msk $0xffff, v4  }
0x42: {  	s15 =	sor.u32 s17, s23;
	v2 =	vtrunc.f32 v2;
	v3 =	vld [tilespmem:s26+$0x0]  }
0x43: {  	v4 =	vld [tilespmem:s15+$0x0];
	v2 =	vcvt.f32.s32 v2;
	_ =	sdelay $0x1  }
0x44: {  	v2 =	vadd.s32 v1, v2;
	_ =	sdelay $0x1  }
0x45: {  	v3 =	vmax.f32 v3, $0.0e+00  }
0x46: {  	v4 =	vmul.f32 v4, v7;
	v3 =	vmin.f32 v3, $5.110000000e+02  }
0x47: {  	v3 =	vadd.f32 $5.000000000e-01, v3  }
0x48: {  	s28 =	sor.u32 $0x4080, s19;
	s14 =	sor.u32 s17, s25;
	[tilespmem:v2+s11+$0x0] =	vst.idx.add.f32.msk $0xffff, v4  }
0x49: {  	s29 =	sor.u32 s18, s28;
	v2 =	vld [tilespmem:s14+$0x0];
	v3 =	vtrunc.f32 v3  }
0x4a: {  	s0 =	simm.s32 $0x30;
	s31 =	simm.s32 $0x40;
	v4 =	vld [tilespmem:s29+$0x0];
	v3 =	vcvt.f32.s32 v3  }
0x4b: {  	s23 =	sand.u32 $0x1F00, s31;
	s22 =	sand.u32 $0x70, s0  }
0x4c: {  	s16 =	sor.u32 s22, s23;
	v3 =	vadd.s32 v1, v3  }
0x4d: {  	v6 =	vld [tilespmem:s16+$0x0]  }
0x4e: {  	v2 =	vmax.f32 v2, $0.0e+00  }
0x4f: {  	v4 =	vmul.f32 v4, v5;
	v2 =	vmin.f32 v2, $5.110000000e+02  }
0x50: {  	s1 =	sor.u32 $0x6000, s19;
	v2 =	vadd.f32 $5.000000000e-01, v2  }
0x51: {  	s10 =	sor.u32 s18, s1;
	[tilespmem:v3+s11+$0x0] =	vst.idx.add.f32.msk $0xffff, v4  }
0x52: {  	v6 =	vmax.f32 v6, $0.0e+00;
	s15 =	sor.u32 s17, s28;
	v2 =	vtrunc.f32 v2;
	v3 =	vld [tilespmem:s10+$0x0]  }
0x53: {  	s21 =	simm.s32 $0x20;
	v6 =	vmin.f32 v6, $5.110000000e+02;
	v4 =	vld [tilespmem:s15+$0x0];
	v2 =	vcvt.f32.s32 v2  }
0x54: {  	s25 =	simm.s32 $0x10030;
	s21 =	sand.u32 $0x60, s21;
	v6 =	vadd.f32 $5.000000000e-01, v6;
	s14 =	sand.u32 $0xFFFFFF80, s31  }
0x55: {  	v8 =	vld [tilespmem:s25+$0x0];
	s24 =	sor.u32 s21, s23;
	s26 =	sor.u32 s22, s14;
	v2 =	vadd.s32 v1, v2  }
0x56: {  	v9 =	vld [tilespmem:s24+$0x0];
	v6 =	vtrunc.f32 v6;
	s20 =	sor.u32 $0x80, s26  }
0x57: {  	v6 =	vcvt.f32.s32 v6;
	v10 =	vld [tilespmem:s20+$0x0];
	v3 =	vmax.f32 v3, $0.0e+00  }
0x58: {  	v4 =	vmul.f32 v4, v7;
	v3 =	vmin.f32 v3, $5.110000000e+02  }
0x59: {  	v6 =	vadd.s32 v1, v6;
	v3 =	vadd.f32 $5.000000000e-01, v3  }
0x5a: {  	s16 =	sor.u32 s17, s1;
	s28 =	sor.u32 $0x6080, s19;
	[tilespmem:v2+s11+$0x0] =	vst.idx.add.f32.msk $0xffff, v4  }
0x5b: {  	s29 =	sor.u32 s18, s28;
	s14 =	sor.u32 s21, s14;
	v4 =	vmax.f32 v9, $0.0e+00;
	v2 =	vld [tilespmem:s16+$0x0];
	v3 =	vtrunc.f32 v3  }
0x5c: {  	s14 =	sor.u32 $0x80, s14;
	v10 =	vmul.f32 v10, v8;
	v9 =	vld [tilespmem:s29+$0x0];
	v4 =	vmin.f32 v4, $5.110000000e+02;
	v3 =	vcvt.f32.s32 v3  }
0x5d: {  	s31 =	sor.u32 $0x2000, s23;
	v11 =	vld [tilespmem:s14+$0x0];
	v4 =	vadd.f32 $5.000000000e-01, v4  }
0x5e: {  	s0 =	sor.u32 s22, s31;
	[tilespmem:v6+s11+$0x0] =	vst.idx.add.f32.msk $0xffff, v10;
	v3 =	vadd.s32 v1, v3  }
0x5f: {  	v6 =	vld [tilespmem:s0+$0x0];
	v4 =	vtrunc.f32 v4  }
0x60: {  	v4 =	vcvt.f32.s32 v4;
	v10 =	vmax.f32 v2, $0.0e+00;
	v2 =	vld [tilespmem:s25+$0xFFFFFFF0]  }
0x61: {  	v9 =	vmul.f32 v9, v5;
	v10 =	vmin.f32 v10, $5.110000000e+02  }
0x62: {  	s1 =	sor.u32 $0x8000, s19;
	v4 =	vadd.s32 v1, v4;
	v10 =	vadd.f32 $5.000000000e-01, v10  }
0x63: {  	s10 =	sor.u32 s18, s1;
	[tilespmem:v3+s11+$0x0] =	vst.idx.add.f32.msk $0xffff, v9  }
0x64: {  	s20 =	sor.u32 s17, s28;
	v6 =	vmax.f32 v6, $0.0e+00;
	v3 =	vtrunc.f32 v10;
	v9 =	vld [tilespmem:s10+$0x0]  }
0x65: {  	v6 =	vmin.f32 v6, $5.110000000e+02;
	v10 =	vld [tilespmem:s20+$0x0];
	v3 =	vcvt.f32.s32 v3;
	v11 =	vmul.f32 v11, v2  }
0x66: {  	v6 =	vadd.f32 $5.000000000e-01, v6  }
0x67: {  	s14 =	sor.u32 s21, s31;
	s20 =	sor.u32 $0x2080, s23;
	v3 =	vadd.s32 v1, v3;
	[tilespmem:v4+s11+$0x0] =	vst.idx.add.f32.msk $0xffff, v11  }
0x68: {  	v6 =	vtrunc.f32 v6;
	s24 =	sor.u32 s22, s20;
	v4 =	vld [tilespmem:s14+$0x0]  }
0x69: {  	v6 =	vcvt.f32.s32 v6;
	v11 =	vld [tilespmem:s24+$0x0];
	v9 =	vmax.f32 v9, $0.0e+00  }
0x6a: {  	v10 =	vmul.f32 v10, v7;
	v9 =	vmin.f32 v9, $5.110000000e+02  }
0x6b: {  	v6 =	vadd.s32 v1, v6;
	v9 =	vadd.f32 $5.000000000e-01, v9  }
0x6c: {  	s26 =	sor.u32 $0x8080, s19;
	s25 =	sor.u32 s17, s1;
	[tilespmem:v3+s11+$0x0] =	vst.idx.add.f32.msk $0xffff, v10  }
0x6d: {  	s28 =	sor.u32 s18, s26;
	v3 =	vld [tilespmem:s25+$0x0];
	v4 =	vmax.f32 v4, $0.0e+00;
	v9 =	vtrunc.f32 v9  }
0x6e: {  	v10 =	vld [tilespmem:s28+$0x0];
	v11 =	vmul.f32 v11, v8;
	v4 =	vmin.f32 v4, $5.110000000e+02;
	v9 =	vcvt.f32.s32 v9  }
0x6f: {  	s29 =	sor.u32 $0x4000, s23;
	v4 =	vadd.f32 $5.000000000e-01, v4  }
0x70: {  	s31 =	sor.u32 s22, s29;
	[tilespmem:v6+s11+$0x0] =	vst.idx.add.f32.msk $0xffff, v11;
	v9 =	vadd.s32 v1, v9  }
0x71: {  	s16 =	sor.u32 s21, s20;
	v6 =	vld [tilespmem:s31+$0x0];
	v4 =	vtrunc.f32 v4  }
0x72: {  	v11 =	vld [tilespmem:s16+$0x0];
	v3 =	vmax.f32 v3, $0.0e+00;
	v4 =	vcvt.f32.s32 v4  }
0x73: {  	v10 =	vmul.f32 v10, v5;
	v3 =	vmin.f32 v3, $5.110000000e+02  }
0x74: {  	v3 =	vadd.f32 $5.000000000e-01, v3;
	v4 =	vadd.s32 v1, v4  }
0x75: {  	s15 =	sor.u32 s17, s26;
	s0 =	sor.u32 $0xA000, s19;
	[tilespmem:v9+s11+$0x0] =	vst.idx.add.f32.msk $0xffff, v10  }
0x76: {  	s1 =	sor.u32 s18, s0;
	v6 =	vmax.f32 v6, $0.0e+00;
	v3 =	vtrunc.f32 v3;
	v10 =	vld [tilespmem:s15+$0x0]  }
0x77: {  	v11 =	vmul.f32 v11, v2;
	v6 =	vmin.f32 v6, $5.110000000e+02;
	v9 =	vld [tilespmem:s1+$0x0];
	v3 =	vcvt.f32.s32 v3  }
0x78: {  	s10 =	sor.u32 $0x4080, s23;
	v6 =	vadd.f32 $5.000000000e-01, v6  }
0x79: {  	s16 =	sor.u32 s22, s10;
	v3 =	vadd.s32 v1, v3;
	[tilespmem:v4+s11+$0x0] =	vst.idx.add.f32.msk $0xffff, v11  }
0x7a: {  	s24 =	simm.s32 $0x80;
	s14 =	sor.u32 s21, s29;
	s28 =	simm.s32 $0x40;
	v6 =	vtrunc.f32 v6;
	v11 =	vld [tilespmem:s16+$0x0]  }
0x7b: {  	s25 =	sor.u32 s21, s10;
	v6 =	vcvt.f32.s32 v6;
	s16 =	sand.u32 $0x60, s28;
	v4 =	vld [tilespmem:s14+$0x0];
	s14 =	sand.u32 $0x1F00, s24  }
0x7c: {  	s26 =	simm.s32 $0x50;
	v12 =	vld [tilespmem:s25+$0x0];
	v10 =	vmul.f32 v10, v7;
	s28 =	sor.u32 s16, s14;
	v9 =	vmax.f32 v9, $0.0e+00  }
0x7d: {  	s15 =	sand.u32 $0x70, s26;
	v6 =	vadd.s32 v1, v6;
	v13 =	vld [tilespmem:s28+$0x0];
	v9 =	vmin.f32 v9, $5.110000000e+02  }
0x7e: {  	s26 =	sor.u32 $0xA080, s19;
	s25 =	sor.u32 s15, s14;
	v9 =	vadd.f32 $5.000000000e-01, v9;
	[tilespmem:v3+s11+$0x0] =	vst.idx.add.f32.msk $0xffff, v10  }
0x7f: {  	s29 =	sor.u32 s18, s26;
	v3 =	vld [tilespmem:s25+$0x0]  }
0x80: {  	s20 =	sor.u32 s17, s0;
	v10 =	vld [tilespmem:s29+$0x0];
	v11 =	vmul.f32 v11, v8;
	v4 =	vmax.f32 v4, $0.0e+00;
	v9 =	vtrunc.f32 v9  }
0x81: {  	s25 =	sor.u32 $0x6000, s23;
	v14 =	vld [tilespmem:s20+$0x0];
	v4 =	vmin.f32 v4, $5.110000000e+02;
	v9 =	vcvt.f32.s32 v9  }
0x82: {  	s31 =	sor.u32 s22, s25;
	[tilespmem:v6+s11+$0x0] =	vst.idx.add.f32.msk $0xffff, v11;
	v4 =	vadd.f32 $5.000000000e-01, v4  }
0x83: {  	v6 =	vld [tilespmem:s31+$0x0];
	v9 =	vadd.s32 v1, v9  }
0x84: {  	s26 =	sor.u32 s17, s26;
	s1 =	sand.u32 $0xFFFFFF80, s24;
	v4 =	vtrunc.f32 v4;
	v3 =	vmax.f32 v3, $0.0e+00  }
0x85: {  	s0 =	simm.s32 $0x10050;
	v15 =	vld [tilespmem:s26+$0x0];
	s26 =	sor.u32 s16, s1;
	v4 =	vcvt.f32.s32 v4;
	v11 =	vmin.f32 v3, $5.110000000e+02  }
0x86: {  	s26 =	sor.u32 $0x80, s26;
	v13 =	vmax.f32 v13, $0.0e+00;
	v10 =	vmul.f32 v10, v5;
	v3 =	vld [tilespmem:s0+$0x0];
	v11 =	vadd.f32 $5.000000000e-01, v11  }
0x87: {  	s10 =	sor.u32 s15, s1;
	v16 =	vadd.s32 v1, v4;
	v4 =	vmin.f32 v13, $5.110000000e+02;
	v13 =	vmax.f32 v14, $0.0e+00;
	v14 =	vld [tilespmem:s26+$0x0]  }
0x88: {  	s24 =	sor.u32 $0xC000, s19;
	s28 =	sor.u32 $0x80, s10;
	v6 =	vmax.f32 v6, $0.0e+00;
	[tilespmem:v9+s11+$0x0] =	vst.idx.add.f32.msk $0xffff, v10  }
0x89: {  	s29 =	sor.u32 s18, s24;
	v4 =	vadd.f32 $5.000000000e-01, v4;
	v9 =	vtrunc.f32 v11;
	v11 =	vmul.f32 v12, v2;
	v12 =	vld [tilespmem:s28+$0x0]  }
0x8a: {  	v6 =	vmin.f32 v6, $5.110000000e+02;
	v10 =	vld [tilespmem:s29+$0x0];
	v9 =	vcvt.f32.s32 v9  }
0x8b: {  	v6 =	vadd.f32 $5.000000000e-01, v6;
	v17 =	vtrunc.f32 v4;
	v4 =	vld [tilespmem:s0+$0xFFFFFFF0]  }
0x8c: {  	s29 =	sor.u32 s21, s25;
	v17 =	vcvt.f32.s32 v17;
	v9 =	vadd.s32 v1, v9;
	[tilespmem:v16+s11+$0x0] =	vst.idx.add.f32.msk $0xffff, v11  }
0x8d: {  	s31 =	sor.u32 $0x6080, s23;
	v13 =	vmin.f32 v13, $5.110000000e+02;
	v6 =	vtrunc.f32 v6;
	v16 =	vld [tilespmem:s29+$0x0]  }
0x8e: {  	s20 =	sor.u32 $0xC080, s19;
	s0 =	sor.u32 s22, s31;
	v11 =	vadd.f32 $5.000000000e-01, v13;
	v6 =	vcvt.f32.s32 v6;
	v13 =	vadd.s32 v1, v17  }
0x8f: {  	s28 =	sor.u32 s18, s20;
	v45 =	vld [tilespmem:s0+$0x0];
	v12 =	vmul.f32 v12, v3;
	v10 =	vmax.f32 v10, $0.0e+00  }
0x90: {  	s1 =	sor.u32 $0x2000, s14;
	v46 =	vld [tilespmem:s28+$0x0];
	v11 =	vtrunc.f32 v11;
	v6 =	vadd.s32 v1, v6;
	v10 =	vmin.f32 v10, $5.110000000e+02  }
0x91: {  	s10 =	sor.u32 s15, s1;
	v11 =	vcvt.f32.s32 v11;
	v10 =	vadd.f32 $5.000000000e-01, v10;
	[tilespmem:v9+s11+$0x0] =	vst.idx.add.f32.msk $0xffff, v12;
	v9 =	vmul.f32 v14, v4  }
0x92: {  	v12 =	vld [tilespmem:s10+$0x0];
	v14 =	vmax.f32 v16, $0.0e+00  }
0x93: {  	s25 =	sor.u32 s21, s31;
	v11 =	vadd.s32 v1, v11;
	v10 =	vtrunc.f32 v10;
	[tilespmem:v13+s11+$0x0] =	vst.idx.add.f32.msk $0xffff, v9;
	v9 =	vmin.f32 v14, $5.110000000e+02  }
0x94: {  	v18 =	vld [tilespmem:s25+$0x0];
	s29 =	sor.u32 s16, s1;
	v13 =	vmul.f32 v45, v8;
	v10 =	vcvt.f32.s32 v10;
	v9 =	vadd.f32 $5.000000000e-01, v9  }
0x95: {  	s25 =	sor.u32 $0x8000, s23;
	v14 =	vld [tilespmem:s29+$0x0]  }
0x96: {  	s31 =	sor.u32 s22, s25;
	[tilespmem:v6+s11+$0x0] =	vst.idx.add.f32.msk $0xffff, v13;
	v10 =	vadd.s32 v1, v10;
	v9 =	vtrunc.f32 v9  }
0x97: {  	v6 =	vmul.f32 v15, v7;
	v13 =	vld [tilespmem:s31+$0x0];
	v9 =	vcvt.f32.s32 v9  }
0x98: {  	v12 =	vmax.f32 v12, $0.0e+00  }
0x99: {  	s24 =	sor.u32 s17, s24;
	[tilespmem:v11+s11+$0x0] =	vst.idx.add.f32.msk $0xffff, v6;
	v6 =	vmul.f32 v46, v5;
	v12 =	vmin.f32 v12, $5.110000000e+02;
	v9 =	vadd.s32 v1, v9  }
0x9a: {  	s0 =	sor.u32 $0x2080, s14;
	v11 =	vadd.f32 $5.000000000e-01, v12;
	v12 =	vld [tilespmem:s24+$0x0]  }
0x9b: {  	s28 =	sor.u32 $0xE000, s19;
	s10 =	sor.u32 s15, s0;
	v15 =	vmul.f32 v18, v2;
	v14 =	vmax.f32 v14, $0.0e+00;
	[tilespmem:v10+s11+$0x0] =	vst.idx.add.f32.msk $0xffff, v6  }
0x9c: {  	s1 =	sor.u32 s18, s28;
	v6 =	vmin.f32 v14, $5.110000000e+02;
	v10 =	vtrunc.f32 v11;
	v13 =	vmax.f32 v13, $0.0e+00;
	v14 =	vld [tilespmem:s10+$0x0]  }
0x9d: {  	s29 =	sor.u32 $0x8080, s23;
	v11 =	vld [tilespmem:s1+$0x0];
	v10 =	vcvt.f32.s32 v10;
	v13 =	vmin.f32 v13, $5.110000000e+02  }
0x9e: {  	s31 =	sor.u32 s22, s29;
	v6 =	vadd.f32 $5.000000000e-01, v6;
	v13 =	vadd.f32 $5.000000000e-01, v13;
	[tilespmem:v9+s11+$0x0] =	vst.idx.add.f32.msk $0xffff, v15  }
0x9f: {  	s25 =	sor.u32 s21, s25;
	v10 =	vadd.s32 v1, v10;
	v15 =	vld [tilespmem:s31+$0x0]  }
0xa0: {  	v6 =	vtrunc.f32 v6;
	v9 =	vld [tilespmem:s25+$0x0];
	v13 =	vtrunc.f32 v13  }
0xa1: {  	v12 =	vmax.f32 v12, $0.0e+00;
	v6 =	vcvt.f32.s32 v6;
	v13 =	vcvt.f32.s32 v13  }
0xa2: {  	s24 =	sor.u32 s16, s0;
	v12 =	vmin.f32 v12, $5.110000000e+02;
	v14 =	vmul.f32 v14, v3;
	v11 =	vmax.f32 v11, $0.0e+00  }
0xa3: {  	s0 =	sor.u32 $0x4000, s14;
	v47 =	vld [tilespmem:s24+$0x0];
	v12 =	vadd.f32 $5.000000000e-01, v12;
	v11 =	vmin.f32 v11, $5.110000000e+02;
	v13 =	vadd.s32 v1, v13  }
0xa4: {  	s1 =	sor.u32 s15, s0;
	v6 =	vadd.s32 v1, v6;
	v11 =	vadd.f32 $5.000000000e-01, v11;
	[tilespmem:v10+s11+$0x0] =	vst.idx.add.f32.msk $0xffff, v14  }
0xa5: {  	s26 =	sor.u32 $0xE080, s19;
	s10 =	sor.u32 s17, s20;
	v12 =	vtrunc.f32 v12;
	v15 =	vmul.f32 v15, v8;
	v10 =	vld [tilespmem:s1+$0x0];
	v9 =	vmax.f32 v9, $0.0e+00  }
0xa6: {  	s18 =	sor.u32 s18, s26;
	v48 =	vld [tilespmem:s10+$0x0];
	v12 =	vcvt.f32.s32 v12;
	v11 =	vtrunc.f32 v11;
	v9 =	vmin.f32 v9, $5.110000000e+02  }
0xa7: {  	s25 =	sor.u32 $0xA000, s23;
	v14 =	vld [tilespmem:s18+$0x0];
	v11 =	vcvt.f32.s32 v11;
	v9 =	vadd.f32 $5.000000000e-01, v9  }
0xa8: {  	s20 =	sor.u32 s22, s25;
	v12 =	vadd.s32 v1, v12;
	[tilespmem:v13+s11+$0x0] =	vst.idx.add.f32.msk $0xffff, v15  }
0xa9: {  	s29 =	sor.u32 s21, s29;
	v13 =	vmul.f32 v47, v4;
	v11 =	vadd.s32 v1, v11;
	v9 =	vtrunc.f32 v9;
	v15 =	vld [tilespmem:s20+$0x0]  }
0xaa: {  	v49 =	vld [tilespmem:s29+$0x0];
	v10 =	vmax.f32 v10, $0.0e+00;
	v9 =	vcvt.f32.s32 v9  }
0xab: {  	s31 =	sor.u32 s16, s0;
	[tilespmem:v6+s11+$0x0] =	vst.idx.add.f32.msk $0xffff, v13;
	v6 =	vmin.f32 v10, $5.110000000e+02;
	v10 =	vmul.f32 v48, v7  }
0xac: {  	v5 =	vmul.f32 v14, v5;
	v13 =	vld [tilespmem:s31+$0x0];
	v6 =	vadd.f32 $5.000000000e-01, v6;
	v9 =	vadd.s32 v1, v9  }
0xad: {  	s0 =	sor.u32 $0x4080, s14;
	[tilespmem:v12+s11+$0x0] =	vst.idx.add.f32.msk $0xffff, v10  }
0xae: {  	s18 =	sor.u32 s16, s0;
	[tilespmem:v11+s11+$0x0] =	vst.idx.add.f32.msk $0xffff, v5;
	v5 =	vtrunc.f32 v6;
	v6 =	vmax.f32 v15, $0.0e+00  }
0xaf: {  	s24 =	simm.s32 $0x70;
	s10 =	simm.s32 $0xC0;
	s1 =	sor.u32 s15, s0;
	v10 =	vmul.f32 v49, v2;
	v12 =	vld [tilespmem:s18+$0x0];
	v6 =	vmin.f32 v6, $5.110000000e+02  }
0xb0: {  	s19 =	sand.u32 $0x70, s24;
	s20 =	sand.u32 $0x1F00, s10;
	v11 =	vld [tilespmem:s1+$0x0];
	v5 =	vcvt.f32.s32 v5;
	v6 =	vadd.f32 $5.000000000e-01, v6  }
0xb1: {  	s0 =	simm.s32 $0x60;
	s30 =	sor.u32 s19, s20;
	s31 =	sor.u32 $0xA080, s23;
	[tilespmem:v9+s11+$0x0] =	vst.idx.add.f32.msk $0xffff, v10  }
0xb2: {  	s18 =	sand.u32 $0x60, s0;
	v5 =	vadd.s32 v1, v5;
	v9 =	vld [tilespmem:s30+$0x0];
	s30 =	sor.u32 s22, s31;
	v6 =	vtrunc.f32 v6  }
0xb3: {  	s0 =	sor.u32 s18, s20;
	v10 =	vmax.f32 v13, $0.0e+00;
	v13 =	vld [tilespmem:s30+$0x0];
	v6 =	vcvt.f32.s32 v6  }
0xb4: {  	s25 =	sor.u32 s21, s25;
	v14 =	vld [tilespmem:s0+$0x0]  }
0xb5: {  	v10 =	vmin.f32 v10, $5.110000000e+02;
	v15 =	vld [tilespmem:s25+$0x0];
	s30 =	sor.u32 s21, s31;
	v11 =	vmul.f32 v11, v3;
	v6 =	vadd.s32 v1, v6  }
0xb6: {  	s0 =	sor.u32 $0x6000, s14;
	v10 =	vadd.f32 $5.000000000e-01, v10;
	v50 =	vld [tilespmem:s30+$0x0];
	s30 =	sand.u32 $0xFFFFFF80, s10  }
0xb7: {  	s1 =	sor.u32 s15, s0;
	s10 =	sor.u32 s19, s30;
	s30 =	sor.u32 s18, s30;
	[tilespmem:v5+s11+$0x0] =	vst.idx.add.f32.msk $0xffff, v11;
	v9 =	vmax.f32 v9, $0.0e+00  }
0xb8: {  	s31 =	sor.u32 $0x80, s10;
	s10 =	sor.u32 $0x80, s30;
	v5 =	vtrunc.f32 v10;
	v10 =	vld [tilespmem:s1+$0x0];
	v9 =	vmin.f32 v9, $5.110000000e+02;
	v13 =	vmul.f32 v13, v8  }
0xb9: {  	s29 =	sor.u32 $0xC000, s23;
	v14 =	vmax.f32 v14, $0.0e+00;
	v51 =	vld [tilespmem:s10+$0x0];
	v11 =	vcvt.f32.s32 v5;
	v9 =	vadd.f32 $5.000000000e-01, v9  }
0xba: {  	v14 =	vmin.f32 v14, $5.110000000e+02;
	s1 =	sor.u32 s22, s29;
	[tilespmem:v6+s11+$0x0] =	vst.idx.add.f32.msk $0xffff, v13  }
0xbb: {  	s25 =	simm.s32 $0x10070;
	v11 =	vadd.s32 v1, v11;
	v6 =	vadd.f32 $5.000000000e-01, v14;
	v9 =	vtrunc.f32 v9;
	v13 =	vld [tilespmem:s1+$0x0]  }
0xbc: {  	v12 =	vmul.f32 v12, v4;
	s10 =	sor.u32 $0x6080, s14;
	v5 =	vld [tilespmem:s25+$0x0];
	v14 =	vmax.f32 v15, $0.0e+00;
	v9 =	vcvt.f32.s32 v9  }
0xbd: {  	v15 =	vld [tilespmem:s31+$0x0];
	s31 =	sor.u32 s15, s10;
	v14 =	vmin.f32 v14, $5.110000000e+02;
	v10 =	vmax.f32 v10, $0.0e+00;
	v52 =	vtrunc.f32 v6  }
0xbe: {  	v53 =	vld [tilespmem:s31+$0x0];
	v14 =	vadd.f32 $5.000000000e-01, v14;
	v10 =	vmin.f32 v10, $5.110000000e+02;
	v18 =	vcvt.f32.s32 v52  }
0xbf: {  	v6 =	vld [tilespmem:s25+$0xFFFFFFF0];
	v9 =	vadd.s32 v1, v9;
	v10 =	vadd.f32 $5.000000000e-01, v10  }
0xc0: {  	s0 =	sor.u32 s16, s0;
	s30 =	sor.u32 $0xC080, s23;
	[tilespmem:v11+s11+$0x0] =	vst.idx.add.f32.msk $0xffff, v12;
	v14 =	vtrunc.f32 v14;
	v11 =	vadd.s32 v1, v18;
	v13 =	vmax.f32 v13, $0.0e+00  }
0xc1: {  	s31 =	sor.u32 s22, s30;
	v12 =	vld [tilespmem:s0+$0x0];
	v14 =	vcvt.f32.s32 v14;
	v10 =	vtrunc.f32 v10;
	v13 =	vmin.f32 v13, $5.110000000e+02  }
0xc2: {  	s1 =	sor.u32 s16, s10;
	v54 =	vld [tilespmem:s31+$0x0];
	v15 =	vmul.f32 v15, v5;
	v10 =	vcvt.f32.s32 v10;
	v13 =	vadd.f32 $5.000000000e-01, v13  }
0xc3: {  	s0 =	sor.u32 $0x2000, s20;
	v19 =	vld [tilespmem:s1+$0x0];
	v14 =	vadd.s32 v1, v14  }
0xc4: {  	s10 =	sor.u32 s19, s0;
	[tilespmem:v9+s11+$0x0] =	vst.idx.add.f32.msk $0xffff, v15;
	v9 =	vadd.s32 v1, v10;
	v10 =	vmul.f32 v51, v6;
	v13 =	vtrunc.f32 v13  }
0xc5: {  	v15 =	vld [tilespmem:s10+$0x0];
	v13 =	vcvt.f32.s32 v13  }
0xc6: {  	v16 =	vmul.f32 v50, v2;
	s0 =	sor.u32 s18, s0;
	v12 =	vmax.f32 v12, $0.0e+00;
	[tilespmem:v11+s11+$0x0] =	vst.idx.add.f32.msk $0xffff, v10  }
0xc7: {  	v10 =	vmul.f32 v53, v3;
	v11 =	vmin.f32 v12, $5.110000000e+02;
	v12 =	vld [tilespmem:s0+$0x0];
	v13 =	vadd.s32 v1, v13  }
0xc8: {  	s0 =	sor.u32 $0x8000, s14;
	v11 =	vadd.f32 $5.000000000e-01, v11;
	[tilespmem:v14+s11+$0x0] =	vst.idx.add.f32.msk $0xffff, v16  }
0xc9: {  	s10 =	sor.u32 s15, s0;
	[tilespmem:v9+s11+$0x0] =	vst.idx.add.f32.msk $0xffff, v10  }
0xca: {  	s31 =	sor.u32 s21, s29;
	v14 =	vmul.f32 v54, v8;
	v10 =	vmax.f32 v15, $0.0e+00;
	v11 =	vtrunc.f32 v11;
	v9 =	vld [tilespmem:s10+$0x0]  }
0xcb: {  	v15 =	vld [tilespmem:s31+$0x0];
	v10 =	vmin.f32 v10, $5.110000000e+02;
	v11 =	vcvt.f32.s32 v11  }
0xcc: {  	s28 =	sor.u32 s17, s28;
	s29 =	sor.u32 $0xE000, s23;
	v10 =	vadd.f32 $5.000000000e-01, v10;
	[tilespmem:v13+s11+$0x0] =	vst.idx.add.f32.msk $0xffff, v14  }
0xcd: {  	s31 =	sor.u32 $0x2080, s20;
	s10 =	sor.u32 s22, s29;
	v12 =	vmax.f32 v12, $0.0e+00;
	v11 =	vadd.s32 v1, v11;
	v14 =	vld [tilespmem:s28+$0x0]  }
0xce: {  	v12 =	vmin.f32 v12, $5.110000000e+02;
	v10 =	vtrunc.f32 v10;
	v13 =	vld [tilespmem:s10+$0x0];
	s10 =	sor.u32 s19, s31  }
0xcf: {  	s31 =	sor.u32 s18, s31;
	v12 =	vadd.f32 $5.000000000e-01, v12;
	v10 =	vcvt.f32.s32 v10;
	v55 =	vld [tilespmem:s10+$0x0];
	v9 =	vmax.f32 v9, $0.0e+00  }
0xd0: {  	v56 =	vmul.f32 v19, v4;
	s10 =	sor.u32 s21, s30;
	v57 =	vld [tilespmem:s31+$0x0];
	v9 =	vmin.f32 v9, $5.110000000e+02  }
0xd1: {  	v12 =	vtrunc.f32 v12;
	v10 =	vadd.s32 v1, v10;
	v58 =	vld [tilespmem:s10+$0x0];
	v9 =	vadd.f32 $5.000000000e-01, v9  }
0xd2: {  	s0 =	sor.u32 s16, s0;
	s28 =	sor.u32 $0x8080, s14;
	v12 =	vcvt.f32.s32 v12;
	[tilespmem:v11+s11+$0x0] =	vst.idx.add.f32.msk $0xffff, v56;
	v11 =	vmax.f32 v15, $0.0e+00  }
0xd3: {  	s31 =	sor.u32 s15, s28;
	v15 =	vld [tilespmem:s0+$0x0];
	v11 =	vmin.f32 v11, $5.110000000e+02;
	v13 =	vmax.f32 v13, $0.0e+00;
	v9 =	vtrunc.f32 v9  }
0xd4: {  	s1 =	sor.u32 s16, s28;
	v59 =	vld [tilespmem:s31+$0x0];
	v13 =	vmin.f32 v13, $5.110000000e+02;
	v16 =	vmul.f32 v55, v5;
	v9 =	vcvt.f32.s32 v9  }
0xd5: {  	v14 =	vmax.f32 v14, $0.0e+00;
	v20 =	vld [tilespmem:s1+$0x0];
	s0 =	sor.u32 $0xE080, s23;
	v12 =	vadd.s32 v1, v12;
	v13 =	vadd.f32 $5.000000000e-01, v13  }
0xd6: {  	s1 =	sor.u32 $0x4000, s20;
	v11 =	vadd.f32 $5.000000000e-01, v11;
	v14 =	vmin.f32 v14, $5.110000000e+02;
	s22 =	sor.u32 s22, s0;
	[tilespmem:v10+s11+$0x0] =	vst.idx.add.f32.msk $0xffff, v16;
	v9 =	vadd.s32 v1, v9  }
0xd7: {  	s10 =	sor.u32 s19, s1;
	v60 =	vmul.f32 v57, v6;
	v10 =	vtrunc.f32 v13;
	v13 =	vadd.f32 $5.000000000e-01, v14;
	v14 =	vld [tilespmem:s22+$0x0]  }
0xd8: {  	s17 =	sor.u32 s17, s26;
	v11 =	vtrunc.f32 v11;
	v61 =	vld [tilespmem:s10+$0x0];
	v15 =	vmax.f32 v15, $0.0e+00;
	v10 =	vcvt.f32.s32 v10  }
0xd9: {  	v21 =	vld [tilespmem:s17+$0x0];
	v17 =	vmul.f32 v59, v3;
	v11 =	vcvt.f32.s32 v11;
	v15 =	vmin.f32 v15, $5.110000000e+02  }
0xda: {  	s28 =	sor.u32 $0xA000, s14;
	[tilespmem:v12+s11+$0x0] =	vst.idx.add.f32.msk $0xffff, v60;
	v12 =	vadd.f32 $5.000000000e-01, v15;
	v10 =	vadd.s32 v1, v10  }
0xdb: {  	s31 =	sor.u32 s15, s28;
	v11 =	vadd.s32 v1, v11;
	v13 =	vtrunc.f32 v13;
	[tilespmem:v9+s11+$0x0] =	vst.idx.add.f32.msk $0xffff, v17  }
0xdc: {  	s1 =	sor.u32 s18, s1;
	v15 =	vcvt.f32.s32 v13;
	v9 =	vtrunc.f32 v12;
	v13 =	vld [tilespmem:s31+$0x0]  }
0xdd: {  	v62 =	vmul.f32 v14, v8;
	v14 =	vld [tilespmem:s1+$0x0];
	v18 =	vmax.f32 v61, $0.0e+00;
	v9 =	vcvt.f32.s32 v9  }
0xde: {  	v63 =	vmul.f32 v58, v2;
	v8 =	vadd.s32 v1, v15;
	v15 =	vmin.f32 v18, $5.110000000e+02  }
0xdf: {  	s26 =	sor.u32 $0x4080, s20;
	s17 =	simm.s32 $0x2;
	s30 =	sor.u32 s16, s28;
	v9 =	vadd.s32 v1, v9;
	[tilespmem:v10+s11+$0x0] =	vst.idx.add.f32.msk $0xffff, v62;
	v10 =	vadd.f32 $5.000000000e-01, v15  }
0xe0: {  	v7 =	vmul.f32 v21, v7;
	s23 =	sor.u32 s21, s29;
	s21 =	sor.u32 s21, s0;
	s22 =	simm.s32 $0x6;
	v12 =	vmul.f32 v20, v4;
	[tilespmem:v11+s11+$0x0] =	vst.idx.add.f32.msk $0xffff, v63  }
.LBB2_4:
0xe1: {  	s22 =	sadd.s32 $0x2, s22;
	s0 =	sor.u32 s18, s26;
	s1 =	sor.u32 s19, s26;
	v10 =	vtrunc.f32 v10;
	v11 =	vmax.f32 v13, $0.0e+00;
	v13 =	vld [tilespmem:s23+$0x0]  }
0xe2: {  	s24 =	sadd.s32 $0x20, s24;
	s23 =	sshll.u32 s22, $0x5;
	p0 =	slt.u32 s22, $0xFE;
	v14 =	vmax.f32 v14, $0.0e+00;
	v15 =	vld [tilespmem:s1+$0x0];
	v10 =	vcvt.f32.s32 v10;
	v11 =	vmin.f32 v11, $5.110000000e+02  }
0xe3: {  	s1 =	sadd.s32 $0xFFFFFFF0, s24;
	s28 =	sand.u32 $0x70, s24;
	s29 =	sand.u32 $0x1F00, s23;
	v16 =	vld [tilespmem:s0+$0x0];
	v14 =	vmin.f32 v14, $5.110000000e+02;
	v11 =	vadd.f32 $5.000000000e-01, v11  }
0xe4: {  	s26 =	sand.u32 $0x60, s1;
	s1 =	sor.u32 $0xA080, s14;
	s0 =	sor.u32 s28, s29;
	v14 =	vadd.f32 $5.000000000e-01, v14;
	v10 =	vadd.s32 v1, v10;
	[tilespmem:v9+s11+$0x0] =	vst.idx.add.f32.msk $0xffff, v12  }
0xe5: {  	s31 =	sor.u32 s26, s29;
	v9 =	vld [tilespmem:s0+$0x0];
	s0 =	sor.u32 s16, s1;
	s1 =	sor.u32 s15, s1;
	v11 =	vtrunc.f32 v11  }
0xe6: {  	v12 =	vtrunc.f32 v14;
	v14 =	vld [tilespmem:s1+$0x0];
	v11 =	vcvt.f32.s32 v11;
	v13 =	vmax.f32 v13, $0.0e+00  }
0xe7: {  	v17 =	vld [tilespmem:s31+$0x0];
	v12 =	vcvt.f32.s32 v12;
	v15 =	vmul.f32 v15, v5;
	v13 =	vmin.f32 v13, $5.110000000e+02  }
0xe8: {  	s1 =	sor.u32 $0x6000, s20;
	v16 =	vmul.f32 v16, v6;
	v18 =	vld [tilespmem:s30+$0x0];
	v11 =	vadd.s32 v1, v11;
	v13 =	vadd.f32 $5.000000000e-01, v13  }
0xe9: {  	s30 =	sor.u32 s18, s1;
	s1 =	sor.u32 s19, s1;
	v12 =	vadd.s32 v1, v12;
	[tilespmem:v10+s11+$0x0] =	vst.idx.add.f32.msk $0xffff, v15  }
0xea: {  	v9 =	vmax.f32 v9, $0.0e+00;
	v15 =	vld [tilespmem:s1+$0x0];
	v10 =	vtrunc.f32 v13  }
0xeb: {  	s25 =	sadd.s32 $0x20, s25;
	v13 =	vmin.f32 v9, $5.110000000e+02;
	v19 =	vld [tilespmem:s0+$0x0];
	v14 =	vmul.f32 v14, v3;
	v10 =	vcvt.f32.s32 v10  }
0xec: {  	s1 =	sor.u32 $0xC000, s14;
	s0 =	sand.u32 $0xFFFFFF80, s23;
	v17 =	vmax.f32 v17, $0.0e+00;
	v9 =	vld [tilespmem:s25+$0x0];
	v13 =	vadd.f32 $5.000000000e-01, v13  }
0xed: {  	s31 =	sor.u32 s15, s1;
	s23 =	sor.u32 s26, s0;
	s0 =	sor.u32 s28, s0;
	v17 =	vmin.f32 v17, $5.110000000e+02;
	v18 =	vmax.f32 v18, $0.0e+00;
	[tilespmem:v11+s11+$0x0] =	vst.idx.add.f32.msk $0xffff, v14;
	v10 =	vadd.s32 v1, v10  }
0xee: {  	s10 =	sor.u32 $0x80, s23;
	s0 =	sor.u32 $0x80, s0;
	s23 =	sor.u32 s16, s1;
	v11 =	vadd.f32 $5.000000000e-01, v17;
	v13 =	vtrunc.f32 v13;
	v14 =	vmin.f32 v18, $5.110000000e+02;
	v17 =	vld [tilespmem:s31+$0x0]  }
0xef: {  	v18 =	vld [tilespmem:s0+$0x0];
	v13 =	vcvt.f32.s32 v13;
	v15 =	vmax.f32 v15, $0.0e+00;
	v14 =	vadd.f32 $5.000000000e-01, v14  }
0xf0: {  	v20 =	vld [tilespmem:s10+$0x0];
	v21 =	vtrunc.f32 v11;
	v15 =	vmin.f32 v15, $5.110000000e+02;
	v19 =	vmul.f32 v19, v4  }
0xf1: {  	v11 =	vld [tilespmem:s25+$0xFFFFFFF0];
	v21 =	vcvt.f32.s32 v21;
	v13 =	vadd.s32 v1, v13;
	v15 =	vadd.f32 $5.000000000e-01, v15  }
0xf2: {  	s0 =	sor.u32 $0x6080, s20;
	[tilespmem:v12+s11+$0x0] =	vst.idx.add.f32.msk $0xffff, v16;
	v12 =	vtrunc.f32 v14  }
0xf3: {  	s1 =	sor.u32 s18, s0;
	s0 =	sor.u32 s19, s0;
	v14 =	vadd.s32 v1, v21;
	v16 =	vld [tilespmem:s30+$0x0];
	v15 =	vtrunc.f32 v15;
	v17 =	vmax.f32 v17, $0.0e+00  }
0xf4: {  	v18 =	vmul.f32 v18, v9;
	v21 =	vld [tilespmem:s0+$0x0];
	v15 =	vcvt.f32.s32 v15;
	v17 =	vmin.f32 v17, $5.110000000e+02  }
0xf5: {  	v12 =	vcvt.f32.s32 v12;
	s0 =	sor.u32 $0x2000, s29;
	v22 =	vld [tilespmem:s1+$0x0];
	v17 =	vadd.f32 $5.000000000e-01, v17  }
0xf6: {  	s10 =	sor.u32 $0xC080, s14;
	s1 =	sor.u32 s26, s0;
	s0 =	sor.u32 s28, s0;
	v20 =	vmul.f32 v20, v11;
	[tilespmem:v13+s11+$0x0] =	vst.idx.add.f32.msk $0xffff, v18;
	v13 =	vadd.s32 v1, v15  }
0xf7: {  	v12 =	vadd.s32 v1, v12;
	v15 =	vld [tilespmem:s0+$0x0];
	s0 =	sor.u32 s16, s10;
	s10 =	sor.u32 s15, s10;
	v17 =	vtrunc.f32 v17  }
0xf8: {  	v16 =	vmax.f32 v16, $0.0e+00;
	v18 =	vld [tilespmem:s10+$0x0];
	v17 =	vcvt.f32.s32 v17  }
0xf9: {  	[tilespmem:v14+s11+$0x0] =	vst.idx.add.f32.msk $0xffff, v20;
	v14 =	vmin.f32 v16, $5.110000000e+02;
	v16 =	vmul.f32 v21, v5  }
0xfa: {  	v20 =	vld [tilespmem:s1+$0x0];
	v14 =	vadd.f32 $5.000000000e-01, v14;
	v21 =	vmul.f32 v22, v6;
	s1 =	sor.u32 $0x8000, s20;
	v17 =	vadd.s32 v1, v17  }
0xfb: {  	s10 =	sor.u32 s18, s1;
	[tilespmem:v13+s11+$0x0] =	vst.idx.add.f32.msk $0xffff, v16;
	s1 =	sor.u32 s19, s1  }
0xfc: {  	v13 =	vmax.f32 v15, $0.0e+00;
	v14 =	vtrunc.f32 v14;
	v15 =	vld [tilespmem:s1+$0x0]  }
0xfd: {  	v13 =	vmin.f32 v13, $5.110000000e+02;
	v14 =	vcvt.f32.s32 v14;
	[tilespmem:v12+s11+$0x0] =	vst.idx.add.f32.msk $0xffff, v19;
	v12 =	vmul.f32 v18, v3  }
0xfe: {  	s1 =	sor.u32 $0xE000, s14;
	v13 =	vadd.f32 $5.000000000e-01, v13;
	v16 =	vld [tilespmem:s23+$0x0]  }
0xff: {  	s30 =	sor.u32 $0x2080, s29;
	s23 =	sor.u32 s16, s1;
	s1 =	sor.u32 s15, s1;
	v18 =	vmax.f32 v20, $0.0e+00;
	v14 =	vadd.s32 v1, v14;
	[tilespmem:v17+s11+$0x0] =	vst.idx.add.f32.msk $0xffff, v12  }
0x100: {  	s31 =	sor.u32 s26, s30;
	s30 =	sor.u32 s28, s30;
	v12 =	vmin.f32 v18, $5.110000000e+02;
	v13 =	vtrunc.f32 v13;
	v17 =	vld [tilespmem:s1+$0x0]  }
0x101: {  	v12 =	vadd.f32 $5.000000000e-01, v12;
	v18 =	vld [tilespmem:s30+$0x0];
	v13 =	vcvt.f32.s32 v13;
	v15 =	vmax.f32 v15, $0.0e+00  }
0x102: {  	v19 =	vld [tilespmem:s31+$0x0];
	v15 =	vmin.f32 v15, $5.110000000e+02  }
0x103: {  	v12 =	vtrunc.f32 v12;
	v13 =	vadd.s32 v1, v13;
	v15 =	vadd.f32 $5.000000000e-01, v15;
	v20 =	vld [tilespmem:s0+$0x0]  }
0x104: {  	s0 =	sor.u32 $0x8080, s20;
	v12 =	vcvt.f32.s32 v12;
	[tilespmem:v14+s11+$0x0] =	vst.idx.add.f32.msk $0xffff, v21;
	v14 =	vmax.f32 v16, $0.0e+00  }
0x105: {  	s1 =	sor.u32 s18, s0;
	s0 =	sor.u32 s19, s0;
	v16 =	vld [tilespmem:s10+$0x0];
	v15 =	vtrunc.f32 v15;
	v14 =	vmin.f32 v14, $5.110000000e+02;
	v17 =	vmax.f32 v17, $0.0e+00  }
0x106: {  	v18 =	vmul.f32 v18, v9;
	v21 =	vld [tilespmem:s0+$0x0];
	v15 =	vcvt.f32.s32 v15;
	v17 =	vmin.f32 v17, $5.110000000e+02  }
0x107: {  	v12 =	vadd.s32 v1, v12;
	s0 =	sor.u32 $0x4000, s29;
	v19 =	vmul.f32 v19, v11;
	v22 =	vld [tilespmem:s1+$0x0];
	v17 =	vadd.f32 $5.000000000e-01, v17  }
0x108: {  	s10 =	sor.u32 $0xE080, s14;
	v14 =	vadd.f32 $5.000000000e-01, v14;
	s1 =	sor.u32 s26, s0;
	s0 =	sor.u32 s28, s0;
	[tilespmem:v13+s11+$0x0] =	vst.idx.add.f32.msk $0xffff, v18;
	v13 =	vadd.s32 v1, v15;
	v15 =	vmul.f32 v20, v4  }
0x109: {  	s14 =	smov.u32 s20;
	v18 =	vld [tilespmem:s0+$0x0];
	s0 =	sor.u32 s16, s10;
	s10 =	sor.u32 s15, s10;
	v17 =	vtrunc.f32 v17  }
0x10a: {  	s20 =	smov.u32 s29;
	v14 =	vtrunc.f32 v14;
	s15 =	smov.u32 s19;
	s19 =	smov.u32 s28;
	v16 =	vmax.f32 v16, $0.0e+00;
	v20 =	vld [tilespmem:s10+$0x0];
	v17 =	vcvt.f32.s32 v17  }
0x10b: {  	v14 =	vcvt.f32.s32 v14;
	s16 =	smov.u32 s18;
	s18 =	smov.u32 s26;
	v16 =	vmin.f32 v16, $5.110000000e+02;
	v21 =	vmul.f32 v21, v5;
	v23 =	vld [tilespmem:s21+$0x0];
	s21 =	smov.u32 s0  }
0x10c: {  	s0 =	sor.u32 $0xA000, s14;
	[tilespmem:v12+s11+$0x0] =	vst.idx.add.f32.msk $0xffff, v19;
	v16 =	vadd.f32 $5.000000000e-01, v16;
	v12 =	vmul.f32 v22, v6;
	v17 =	vadd.s32 v1, v17  }
0x10d: {  	s30 =	sor.u32 s16, s0;
	s0 =	sor.u32 s15, s0;
	v19 =	vadd.s32 v1, v14;
	[tilespmem:v13+s11+$0x0] =	vst.idx.add.f32.msk $0xffff, v21  }
.Ltmp1:
0x10e: {  	v16 =	vtrunc.f32 v16;
	v13 =	vld [tilespmem:s0+$0x0];
	(pc) =	sbr.rel @p0 .LBB2_4-.Ltmp1, $4  }
0x10f: {  	v18 =	vmax.f32 v18, $0.0e+00;
	v14 =	vld [tilespmem:s1+$0x0];
	v16 =	vcvt.f32.s32 v16;
	v20 =	vmul.f32 v20, v3;
	v3 =	vmovc v5;
	v5 =	vmovc v9  }
0x110: {  	v9 =	vmin.f32 v18, $5.110000000e+02;
	[tilespmem:v8+s11+$0x0] =	vst.idx.add.f32.msk $0xffff, v7;
	v7 =	vmul.f32 v23, v2;
	v8 =	vmovc v10;
	v2 =	vmov v4  }
0x111: {  	v10 =	vadd.f32 $5.000000000e-01, v9;
	v4 =	vmovc v6;
	v6 =	vmov v11;
	v9 =	vadd.s32 v1, v16;
	[tilespmem:v17+s11+$0x0] =	vst.idx.add.f32.msk $0xffff, v20  }
0x112: {  	s26 =	sor.u32 $0x4080, s20;
	[tilespmem:v19+s11+$0x0] =	vst.idx.add.f32.msk $0xffff, v15  }
0x113: {  	_ = 	snop  }
0x114: {  	v11 =	vmax.f32 v14, $0.0e+00  }
0x115: {  	v11 =	vmin.f32 v11, $5.110000000e+02  }
0x116: {  	s0 =	sor.u32 s19, s26;
	v10 =	vtrunc.f32 v10;
	v11 =	vadd.f32 $5.000000000e-01, v11  }
0x117: {  	v42 =	vld [tilespmem:s0+$0x0];
	v10 =	vcvt.f32.s32 v10  }
0x118: {  	s22 =	sor.u32 s18, s26;
	v11 =	vtrunc.f32 v11  }
0x119: {  	v15 =	vld [tilespmem:s22+$0x0];
	v10 =	vadd.s32 v1, v10;
	v11 =	vcvt.f32.s32 v11;
	_ =	sdelay $0x1  }
0x11a: {  	v11 =	vadd.s32 v1, v11  }
0x11b: {  	v14 =	vmul.f32 v42, v5  }
0x11c: {  	s24 =	sor.u32 $0x6000, s20  }
0x11d: {  	s1 =	sor.u32 s19, s24;
	v15 =	vmul.f32 v15, v6;
	[tilespmem:v10+s11+$0x0] =	vst.idx.add.f32.msk $0xffff, v14  }
0x11e: {  	v10 =	vld [tilespmem:s1+$0x0]  }
0x11f: {  	s0 =	sor.u32 s18, s24;
	[tilespmem:v11+s11+$0x0] =	vst.idx.add.f32.msk $0xffff, v15  }
0x120: {  	v11 =	vld [tilespmem:s0+$0x0];
	_ =	sdelay $0x2  }
0x121: {  	v10 =	vmax.f32 v10, $0.0e+00  }
0x122: {  	v10 =	vmin.f32 v10, $5.110000000e+02  }
0x123: {  	v10 =	vadd.f32 $5.000000000e-01, v10;
	v11 =	vmax.f32 v11, $0.0e+00  }
0x124: {  	s25 =	sor.u32 $0x6080, s20;
	v11 =	vmin.f32 v11, $5.110000000e+02  }
0x125: {  	s26 =	sor.u32 s19, s25;
	v10 =	vtrunc.f32 v10;
	v11 =	vadd.f32 $5.000000000e-01, v11  }
0x126: {  	v14 =	vld [tilespmem:s26+$0x0];
	v10 =	vcvt.f32.s32 v10  }
0x127: {  	s0 =	sor.u32 s18, s25;
	v11 =	vtrunc.f32 v11  }
0x128: {  	v15 =	vld [tilespmem:s0+$0x0];
	v10 =	vadd.s32 v1, v10;
	v11 =	vcvt.f32.s32 v11;
	_ =	sdelay $0x1  }
0x129: {  	v11 =	vadd.s32 v1, v11  }
0x12a: {  	v14 =	vmul.f32 v14, v5  }
0x12b: {  	s28 =	sor.u32 $0x8000, s20  }
0x12c: {  	s29 =	sor.u32 s19, s28;
	v15 =	vmul.f32 v15, v6;
	[tilespmem:v10+s11+$0x0] =	vst.idx.add.f32.msk $0xffff, v14  }
0x12d: {  	v10 =	vld [tilespmem:s29+$0x0]  }
0x12e: {  	s0 =	sor.u32 s18, s28;
	[tilespmem:v11+s11+$0x0] =	vst.idx.add.f32.msk $0xffff, v15  }
0x12f: {  	v11 =	vld [tilespmem:s0+$0x0];
	_ =	sdelay $0x2  }
0x130: {  	v10 =	vmax.f32 v10, $0.0e+00  }
0x131: {  	v10 =	vmin.f32 v10, $5.110000000e+02  }
0x132: {  	v10 =	vadd.f32 $5.000000000e-01, v10;
	v11 =	vmax.f32 v11, $0.0e+00  }
0x133: {  	s31 =	sor.u32 $0x8080, s20;
	v11 =	vmin.f32 v11, $5.110000000e+02  }
0x134: {  	s10 =	sor.u32 s19, s31;
	v10 =	vtrunc.f32 v10;
	v11 =	vadd.f32 $5.000000000e-01, v11  }
0x135: {  	v14 =	vld [tilespmem:s10+$0x0];
	v10 =	vcvt.f32.s32 v10  }
0x136: {  	s0 =	sor.u32 s18, s31;
	v11 =	vtrunc.f32 v11  }
0x137: {  	v15 =	vld [tilespmem:s0+$0x0];
	v10 =	vadd.s32 v1, v10;
	v11 =	vcvt.f32.s32 v11;
	_ =	sdelay $0x1  }
0x138: {  	v11 =	vadd.s32 v1, v11  }
0x139: {  	[tilespmem:v9+s11+$0x0] =	vst.idx.add.f32.msk $0xffff, v12;
	v9 =	vmul.f32 v14, v5  }
0x13a: {  	v12 =	vld [tilespmem:s30+$0x0];
	s22 =	sor.u32 $0xA000, s20  }
0x13b: {  	s24 =	sor.u32 s19, s22;
	v43 =	vmul.f32 v15, v6;
	[tilespmem:v10+s11+$0x0] =	vst.idx.add.f32.msk $0xffff, v9  }
0x13c: {  	v9 =	vld [tilespmem:s24+$0x0]  }
0x13d: {  	s0 =	sor.u32 s18, s22;
	v10 =	vmax.f32 v13, $0.0e+00;
	[tilespmem:v11+s11+$0x0] =	vst.idx.add.f32.msk $0xffff, v43  }
0x13e: {  	v10 =	vmin.f32 v10, $5.110000000e+02;
	v11 =	vld [tilespmem:s0+$0x0]  }
0x13f: {  	v12 =	vmax.f32 v12, $0.0e+00;
	v10 =	vadd.f32 $5.000000000e-01, v10  }
0x140: {  	v12 =	vmin.f32 v12, $5.110000000e+02;
	s25 =	sor.u32 $0xA080, s14  }
0x141: {  	v12 =	vadd.f32 $5.000000000e-01, v12;
	s26 =	sor.u32 s15, s25;
	v10 =	vtrunc.f32 v10;
	v9 =	vmax.f32 v9, $0.0e+00  }
0x142: {  	v44 =	vld [tilespmem:s26+$0x0];
	v10 =	vcvt.f32.s32 v10;
	v9 =	vmin.f32 v9, $5.110000000e+02  }
0x143: {  	v12 =	vtrunc.f32 v12;
	s0 =	sor.u32 s16, s25;
	v9 =	vadd.f32 $5.000000000e-01, v9;
	v11 =	vmax.f32 v11, $0.0e+00  }
0x144: {  	v12 =	vcvt.f32.s32 v12;
	s28 =	sor.u32 $0xA080, s20;
	v10 =	vadd.s32 v1, v10;
	v45 =	vld [tilespmem:s0+$0x0];
	v11 =	vmin.f32 v11, $5.110000000e+02  }
0x145: {  	s29 =	sor.u32 s19, s28;
	v9 =	vtrunc.f32 v9;
	v11 =	vadd.f32 $5.000000000e-01, v11  }
0x146: {  	v12 =	vadd.s32 v1, v12;
	v46 =	vld [tilespmem:s29+$0x0];
	v9 =	vcvt.f32.s32 v9  }
0x147: {  	v13 =	vmul.f32 v44, v3;
	s0 =	sor.u32 s18, s28;
	v11 =	vtrunc.f32 v11  }
0x148: {  	s30 =	sor.u32 $0xC000, s14;
	v16 =	vld [tilespmem:s0+$0x0];
	v9 =	vadd.s32 v1, v9;
	v11 =	vcvt.f32.s32 v11  }
0x149: {  	s31 =	sor.u32 s15, s30;
	[tilespmem:v10+s11+$0x0] =	vst.idx.add.f32.msk $0xffff, v13;
	v10 =	vmul.f32 v45, v4  }
0x14a: {  	v13 =	vld [tilespmem:s31+$0x0];
	v11 =	vadd.s32 v1, v11  }
0x14b: {  	s10 =	sor.u32 s16, s30;
	[tilespmem:v12+s11+$0x0] =	vst.idx.add.f32.msk $0xffff, v10;
	v10 =	vmul.f32 v46, v5  }
0x14c: {  	s22 =	sor.u32 $0xC000, s20;
	v12 =	vld [tilespmem:s10+$0x0]  }
0x14d: {  	s24 =	sor.u32 s19, s22;
	[tilespmem:v9+s11+$0x0] =	vst.idx.add.f32.msk $0xffff, v10;
	v9 =	vmul.f32 v16, v6  }
0x14e: {  	v10 =	vld [tilespmem:s24+$0x0]  }
0x14f: {  	s0 =	sor.u32 s18, s22;
	v13 =	vmax.f32 v13, $0.0e+00;
	[tilespmem:v11+s11+$0x0] =	vst.idx.add.f32.msk $0xffff, v9  }
0x150: {  	v9 =	vmin.f32 v13, $5.110000000e+02;
	v11 =	vld [tilespmem:s0+$0x0]  }
0x151: {  	v12 =	vmax.f32 v12, $0.0e+00;
	v9 =	vadd.f32 $5.000000000e-01, v9  }
0x152: {  	s25 =	sor.u32 $0xC080, s14;
	v12 =	vmin.f32 v12, $5.110000000e+02  }
0x153: {  	s26 =	sor.u32 s15, s25;
	v12 =	vadd.f32 $5.000000000e-01, v12;
	v10 =	vmax.f32 v10, $0.0e+00;
	v9 =	vtrunc.f32 v9  }
0x154: {  	v47 =	vld [tilespmem:s26+$0x0];
	v10 =	vmin.f32 v10, $5.110000000e+02;
	v9 =	vcvt.f32.s32 v9  }
0x155: {  	s0 =	sor.u32 s16, s25;
	v12 =	vtrunc.f32 v12;
	v10 =	vadd.f32 $5.000000000e-01, v10;
	v11 =	vmax.f32 v11, $0.0e+00  }
0x156: {  	s28 =	sor.u32 $0xC080, s20;
	v48 =	vld [tilespmem:s0+$0x0];
	v12 =	vcvt.f32.s32 v12;
	v9 =	vadd.s32 v1, v9;
	v11 =	vmin.f32 v11, $5.110000000e+02  }
0x157: {  	s29 =	sor.u32 s19, s28;
	v10 =	vtrunc.f32 v10;
	v11 =	vadd.f32 $5.000000000e-01, v11  }
0x158: {  	v49 =	vld [tilespmem:s29+$0x0];
	v12 =	vadd.s32 v1, v12;
	v10 =	vcvt.f32.s32 v10  }
0x159: {  	v50 =	vld [tilespmem:s23+$0x0];
	v13 =	vmul.f32 v47, v3;
	s0 =	sor.u32 s18, s28;
	v11 =	vtrunc.f32 v11  }
0x15a: {  	s30 =	sor.u32 $0xE000, s14;
	v17 =	vld [tilespmem:s0+$0x0];
	v10 =	vadd.s32 v1, v10;
	v11 =	vcvt.f32.s32 v11  }
0x15b: {  	s31 =	sor.u32 s15, s30;
	[tilespmem:v9+s11+$0x0] =	vst.idx.add.f32.msk $0xffff, v13;
	v9 =	vmul.f32 v48, v4  }
0x15c: {  	v13 =	vld [tilespmem:s31+$0x0];
	v11 =	vadd.s32 v1, v11  }
0x15d: {  	s1 =	sor.u32 s16, s30;
	[tilespmem:v12+s11+$0x0] =	vst.idx.add.f32.msk $0xffff, v9;
	v9 =	vmul.f32 v49, v5  }
0x15e: {  	s10 =	sor.u32 $0xE000, s20;
	v12 =	vld [tilespmem:s1+$0x0]  }
0x15f: {  	s22 =	sor.u32 s19, s10;
	[tilespmem:v10+s11+$0x0] =	vst.idx.add.f32.msk $0xffff, v9;
	v9 =	vmul.f32 v17, v6  }
0x160: {  	v10 =	vld [tilespmem:s22+$0x0]  }
0x161: {  	s0 =	sor.u32 s18, s10;
	[tilespmem:v11+s11+$0x0] =	vst.idx.add.f32.msk $0xffff, v9  }
0x162: {  	v51 =	vmax.f32 v50, $0.0e+00;
	v52 =	vld [tilespmem:s0+$0x0]  }
0x163: {  	v9 =	vmin.f32 v51, $5.110000000e+02;
	v11 =	vmax.f32 v13, $0.0e+00  }
0x164: {  	v9 =	vadd.f32 $5.000000000e-01, v9;
	v11 =	vmin.f32 v11, $5.110000000e+02;
	v12 =	vmax.f32 v12, $0.0e+00  }
0x165: {  	v11 =	vadd.f32 $5.000000000e-01, v11;
	v12 =	vmin.f32 v12, $5.110000000e+02  }
0x166: {  	v9 =	vtrunc.f32 v9;
	v10 =	vmax.f32 v10, $0.0e+00;
	v12 =	vadd.f32 $5.000000000e-01, v12  }
0x167: {  	s23 =	sor.u32 $0xE080, s14;
	v11 =	vtrunc.f32 v11;
	v10 =	vmin.f32 v10, $5.110000000e+02;
	v13 =	vmax.f32 v52, $0.0e+00  }
0x168: {  	v54 =	vld [tilespmem:s21+$0x0];
	s24 =	sor.u32 s15, s23;
	v9 =	vcvt.f32.s32 v9;
	v10 =	vadd.f32 $5.000000000e-01, v10;
	v13 =	vmin.f32 v13, $5.110000000e+02  }
0x169: {  	s25 =	sor.u32 $0xE080, s20;
	v53 =	vld [tilespmem:s24+$0x0];
	s0 =	sor.u32 s16, s23;
	v11 =	vcvt.f32.s32 v11;
	v12 =	vtrunc.f32 v12;
	v13 =	vadd.f32 $5.000000000e-01, v13  }
0x16a: {  	s10 =	sor.u32 s19, s25;
	v56 =	vld [tilespmem:s0+$0x0];
	v9 =	vadd.s32 v1, v9;
	v12 =	vcvt.f32.s32 v12;
	v10 =	vtrunc.f32 v10  }
0x16b: {  	s1 =	sor.u32 s18, s25;
	v55 =	vld [tilespmem:s10+$0x0];
	v11 =	vadd.s32 v1, v11;
	v10 =	vcvt.f32.s32 v10;
	v13 =	vtrunc.f32 v13  }
0x16c: {  	v18 =	vld [tilespmem:s1+$0x0];
	v12 =	vadd.s32 v1, v12;
	v13 =	vcvt.f32.s32 v13  }
0x16d: {  	v2 =	vmul.f32 v54, v2;
	v10 =	vadd.s32 v1, v10  }
0x16e: {  	[tilespmem:v8+s11+$0x0] =	vst.idx.add.f32.msk $0xffff, v7;
	v3 =	vmul.f32 v53, v3;
	v7 =	vadd.s32 v1, v13  }
0x16f: {  	v4 =	vmul.f32 v56, v4;
	[tilespmem:v9+s11+$0x0] =	vst.idx.add.f32.msk $0xffff, v2  }
0x170: {  	[tilespmem:v11+s11+$0x0] =	vst.idx.add.f32.msk $0xffff, v3;
	v3 =	vmul.f32 v55, v5  }
0x171: {  	v2 =	vmul.f32 v18, v6;
	[tilespmem:v12+s11+$0x0] =	vst.idx.add.f32.msk $0xffff, v4  }
0x172: {  	[tilespmem:v10+s11+$0x0] =	vst.idx.add.f32.msk $0xffff, v3  }
0x173: {  	s26 =	simm.s32 $0x12010;
	s28 =	simm.s32 $0x0;
	[tilespmem:v7+s11+$0x0] =	vst.idx.add.f32.msk $0xffff, v2  }
0x174: {  	s1 =	sand.u32 $0x1E0, s28;
	v2 =	vld [tilespmem:s26+$0xFFFFEFF0]  }
0x175: {  	v3 =	vld [tilespmem:s1+$0x11200]  }
0x176: {  	v4 =	vld [tilespmem:s26+$0xFFFFF000]  }
0x177: {  	v5 =	vld [tilespmem:s1+$0x11400]  }
0x178: {  	v6 =	vld [tilespmem:s26+$0xFFFFF200]  }
0x179: {  	v7 =	vld [tilespmem:s1+$0x11600]  }
0x17a: {  	v8 =	vld [tilespmem:s26+$0xFFFFF400]  }
0x17b: {  	v9 =	vld [tilespmem:s1+$0x11800]  }
0x17c: {  	v10 =	vld [tilespmem:s26+$0xFFFFF600]  }
0x17d: {  	v11 =	vld [tilespmem:s1+$0x11A00]  }
0x17e: {  	v12 =	vld [tilespmem:s26+$0xFFFFF800]  }
0x17f: {  	v57 =	vld [tilespmem:s1+$0x11C00]  }
0x180: {  	v58 =	vld [tilespmem:s26+$0xFFFFFA00]  }
0x181: {  	v59 =	vld [tilespmem:s1+$0x11E00]  }
0x182: {  	v60 =	vld [tilespmem:s26+$0xFFFFFC00]  }
0x183: {  	v61 =	vld [tilespmem:s1+$0x12000]  }
0x184: {  	v62 =	vld [tilespmem:s26+$0xFFFFFE00]  }
0x185: {  	v19 =	vld [tilespmem:s1+$0x12200]  }
0x186: {  	v20 =	vld [tilespmem:s26+$0x0]  }
0x187: {  	v21 =	vld [tilespmem:s1+$0x12400]  }
0x188: {  	v22 =	vld [tilespmem:s26+$0x200]  }
0x189: {  	v23 =	vld [tilespmem:s1+$0x12600]  }
0x18a: {  	v24 =	vld [tilespmem:s26+$0x400]  }
0x18b: {  	v25 =	vld [tilespmem:s1+$0x12800]  }
0x18c: {  	v26 =	vld [tilespmem:s26+$0x600]  }
0x18d: {  	v27 =	vld [tilespmem:s1+$0x12A00]  }
0x18e: {  	v28 =	vld [tilespmem:s26+$0x800]  }
0x18f: {  	v29 =	vld [tilespmem:s1+$0x12C00]  }
0x190: {  	v30 =	vld [tilespmem:s26+$0xA00]  }
0x191: {  	v31 =	vld [tilespmem:s1+$0x12E00]  }
0x192: {  	v32 =	vld [tilespmem:s26+$0xC00]  }
0x193: {  	s30 =	simm.s32 $0x20;
	s29 =	simm.s32 $0x12030;
	v33 =	vld [tilespmem:s26+$0xE00]  }
0x194: {  	s31 =	sand.u32 $0x1E0, s30;
	v2 =	vadd.f32 v3, v2;
	v3 =	vadd.f32 v6, v4;
	v4 =	vld [tilespmem:s29+$0xFFFFEFF0]  }
0x195: {  	v6 =	vld [tilespmem:s31+$0x11200]  }
0x196: {  	v2 =	vadd.f32 v5, v2;
	v5 =	vld [tilespmem:s29+$0xFFFFF000]  }
0x197: {  	v3 =	vadd.f32 v8, v3;
	v8 =	vld [tilespmem:s31+$0x11400]  }
0x198: {  	v2 =	vadd.f32 v7, v2;
	v7 =	vld [tilespmem:s29+$0xFFFFF200]  }
0x199: {  	v3 =	vadd.f32 v10, v3;
	v10 =	vld [tilespmem:s31+$0x11600]  }
0x19a: {  	v4 =	vadd.f32 v6, v4;
	v2 =	vadd.f32 v9, v2;
	v9 =	vld [tilespmem:s29+$0xFFFFF400]  }
0x19b: {  	v6 =	vld [tilespmem:s31+$0x11800];
	v3 =	vadd.f32 v12, v3  }
0x19c: {  	v4 =	vadd.f32 v8, v4;
	v2 =	vadd.f32 v11, v2;
	v11 =	vld [tilespmem:s29+$0xFFFFF600]  }
0x19d: {  	v3 =	vadd.f32 v58, v3;
	v5 =	vadd.f32 v7, v5;
	v7 =	vld [tilespmem:s31+$0x11A00]  }
0x19e: {  	v8 =	vld [tilespmem:s29+$0xFFFFF800];
	v4 =	vadd.f32 v10, v4;
	v2 =	vadd.f32 v57, v2  }
0x19f: {  	v3 =	vadd.f32 v60, v3;
	v5 =	vadd.f32 v9, v5;
	v9 =	vld [tilespmem:s31+$0x11C00]  }
0x1a0: {  	v10 =	vld [tilespmem:s29+$0xFFFFFA00];
	v4 =	vadd.f32 v6, v4;
	v2 =	vadd.f32 v59, v2  }
0x1a1: {  	v6 =	vld [tilespmem:s31+$0x11E00];
	v3 =	vadd.f32 v62, v3;
	v5 =	vadd.f32 v11, v5  }
0x1a2: {  	v11 =	vld [tilespmem:s29+$0xFFFFFC00];
	v2 =	vadd.f32 v61, v2;
	v4 =	vadd.f32 v7, v4  }
0x1a3: {  	v3 =	vadd.f32 v20, v3;
	v7 =	vld [tilespmem:s31+$0x12000];
	v5 =	vadd.f32 v8, v5  }
0x1a4: {  	v8 =	vld [tilespmem:s29+$0xFFFFFE00];
	v2 =	vadd.f32 v19, v2;
	v4 =	vadd.f32 v9, v4  }
0x1a5: {  	v3 =	vadd.f32 v22, v3;
	v9 =	vld [tilespmem:s31+$0x12200];
	v5 =	vadd.f32 v10, v5  }
0x1a6: {  	v10 =	vld [tilespmem:s29+$0x0];
	v2 =	vadd.f32 v21, v2;
	v4 =	vadd.f32 v6, v4  }
0x1a7: {  	v3 =	vadd.f32 v24, v3;
	v6 =	vld [tilespmem:s31+$0x12400];
	v5 =	vadd.f32 v11, v5  }
0x1a8: {  	v11 =	vld [tilespmem:s29+$0x200];
	v2 =	vadd.f32 v23, v2;
	v4 =	vadd.f32 v7, v4  }
0x1a9: {  	v3 =	vadd.f32 v26, v3;
	v7 =	vld [tilespmem:s31+$0x12600];
	v5 =	vadd.f32 v8, v5  }
0x1aa: {  	v8 =	vld [tilespmem:s29+$0x400];
	v2 =	vadd.f32 v25, v2;
	v4 =	vadd.f32 v9, v4  }
0x1ab: {  	v3 =	vadd.f32 v28, v3;
	v9 =	vld [tilespmem:s31+$0x12800];
	v5 =	vadd.f32 v10, v5  }
0x1ac: {  	v10 =	vld [tilespmem:s29+$0x600];
	v2 =	vadd.f32 v27, v2;
	v4 =	vadd.f32 v6, v4  }
0x1ad: {  	v63 =	vld [tilespmem:s31+$0x12A00];
	v3 =	vadd.f32 v30, v3;
	v5 =	vadd.f32 v11, v5  }
0x1ae: {  	v11 =	vld [tilespmem:s29+$0x800];
	v6 =	vadd.f32 v29, v2;
	v7 =	vadd.f32 v7, v4  }
0x1af: {  	v3 =	vadd.f32 v32, v3;
	v2 =	vld [tilespmem:s31+$0x12C00];
	v5 =	vadd.f32 v8, v5  }
0x1b0: {  	v4 =	vld [tilespmem:s29+$0xA00];
	v6 =	vadd.f32 v31, v6;
	v7 =	vadd.f32 v9, v7  }
0x1b1: {  	s14 =	simm.s32 $0x13010;
	v8 =	vadd.f32 v33, v3;
	v3 =	vld [tilespmem:s31+$0x12E00];
	v5 =	vadd.f32 v10, v5  }
0x1b2: {  	[tilespmem:s14+$0xFFFFFFF0] =	vst v6;
	v6 =	vld [tilespmem:s29+$0xC00];
	v7 =	vadd.f32 v63, v7  }
0x1b3: {  	s15 =	simm.s32 $0x12050;
	s16 =	simm.s32 $0x40;
	[tilespmem:s14+$0x0] =	vst v8;
	v8 =	vadd.f32 v11, v5;
	v5 =	vld [tilespmem:s29+$0xE00]  }
.LBB2_6:
0x1b4: {  	v9 =	vld [tilespmem:s15+$0xFFFFEFF0];
	s18 =	sand.u32 $0x1E0, s16;
	s17 =	sadd.s32 $0x2, s17;
	v2 =	vadd.f32 v2, v7  }
0x1b5: {  	v7 =	vld [tilespmem:s18+$0x11200];
	p0 =	slt.u32 s17, $0x1E;
	v4 =	vadd.f32 v4, v8  }
0x1b6: {  	v8 =	vld [tilespmem:s15+$0xFFFFF000];
	v2 =	vadd.f32 v3, v2  }
0x1b7: {  	s14 =	sadd.s32 $0x20, s14;
	v3 =	vld [tilespmem:s18+$0x11400];
	v4 =	vadd.f32 v6, v4  }
0x1b8: {  	v6 =	vld [tilespmem:s15+$0xFFFFF200];
	[tilespmem:s14+$0xFFFFFFF0] =	vst v2  }
0x1b9: {  	v2 =	vld [tilespmem:s18+$0x11600];
	v4 =	vadd.f32 v5, v4  }
0x1ba: {  	v5 =	vadd.f32 v7, v9;
	v7 =	vld [tilespmem:s15+$0xFFFFF400]  }
0x1bb: {  	v9 =	vld [tilespmem:s18+$0x11800];
	[tilespmem:s14+$0x0] =	vst v4  }
0x1bc: {  	v3 =	vadd.f32 v3, v5;
	v4 =	vld [tilespmem:s15+$0xFFFFF600]  }
0x1bd: {  	v5 =	vld [tilespmem:s18+$0x11A00];
	v6 =	vadd.f32 v6, v8  }
0x1be: {  	v2 =	vadd.f32 v2, v3;
	v3 =	vld [tilespmem:s15+$0xFFFFF800]  }
0x1bf: {  	v8 =	vld [tilespmem:s18+$0x11C00];
	v6 =	vadd.f32 v7, v6  }
0x1c0: {  	v2 =	vadd.f32 v9, v2;
	v7 =	vld [tilespmem:s15+$0xFFFFFA00]  }
0x1c1: {  	v9 =	vld [tilespmem:s18+$0x11E00];
	v4 =	vadd.f32 v4, v6  }
0x1c2: {  	v2 =	vadd.f32 v5, v2;
	v5 =	vld [tilespmem:s15+$0xFFFFFC00]  }
0x1c3: {  	v6 =	vld [tilespmem:s18+$0x12000];
	v3 =	vadd.f32 v3, v4  }
0x1c4: {  	v2 =	vadd.f32 v8, v2;
	v4 =	vld [tilespmem:s15+$0xFFFFFE00]  }
0x1c5: {  	v8 =	vld [tilespmem:s18+$0x12200];
	v3 =	vadd.f32 v7, v3  }
0x1c6: {  	v2 =	vadd.f32 v9, v2;
	v7 =	vld [tilespmem:s15+$0x0]  }
0x1c7: {  	v9 =	vld [tilespmem:s18+$0x12400];
	v3 =	vadd.f32 v5, v3  }
0x1c8: {  	v2 =	vadd.f32 v6, v2;
	v5 =	vld [tilespmem:s15+$0x200]  }
0x1c9: {  	v6 =	vld [tilespmem:s18+$0x12600];
	v3 =	vadd.f32 v4, v3  }
0x1ca: {  	v2 =	vadd.f32 v8, v2;
	v4 =	vld [tilespmem:s15+$0x400]  }
0x1cb: {  	v8 =	vld [tilespmem:s18+$0x12800];
	v3 =	vadd.f32 v7, v3  }
0x1cc: {  	v2 =	vadd.f32 v9, v2;
	v7 =	vld [tilespmem:s15+$0x600]  }
0x1cd: {  	v9 =	vld [tilespmem:s18+$0x12A00];
	v3 =	vadd.f32 v5, v3  }
0x1ce: {  	v5 =	vadd.f32 v6, v2;
	v10 =	vld [tilespmem:s15+$0x800]  }
.Ltmp2:
0x1cf: {  	v2 =	vld [tilespmem:s18+$0x12C00];
	v6 =	vadd.f32 v4, v3;
	(pc) =	sbr.rel @p0 .LBB2_6-.Ltmp2, $4  }
0x1d0: {  	v5 =	vadd.f32 v8, v5;
	v4 =	vld [tilespmem:s15+$0xA00]  }
0x1d1: {  	v3 =	vld [tilespmem:s18+$0x12E00];
	v8 =	vadd.f32 v7, v6  }
0x1d2: {  	v7 =	vadd.f32 v9, v5;
	v6 =	vld [tilespmem:s15+$0xC00]  }
0x1d3: {  	s16 =	sadd.s32 $0x20, s16;
	v8 =	vadd.f32 v10, v8;
	v5 =	vld [tilespmem:s15+$0xE00];
	s15 =	sadd.s32 $0x20, s15  }
0x1d4: {  	_ = 	snop  }
0x1d5: {  	v4 =	vadd.f32 v4, v8  }
0x1d6: {  	v2 =	vadd.f32 v2, v7  }
0x1d7: {  	v4 =	vadd.f32 v6, v4  }
0x1d8: {  	v2 =	vadd.f32 v3, v2  }
0x1d9: {  	s0 =	sadd.s32 $0x20, s14;
	s13 =	sadd.s32 $0x1, s13;
	v3 =	vadd.f32 v5, v4  }
0x1da: {  	p0 =	sne.s32 s13, s6;
	[tilespmem:s0+$0xFFFFFFF0] =	vst v2  }
.Ltmp3:
0x1db: {  	[tilespmem:s0+$0x0] =	vst v3;
	(pc) =	sbr.rel @p0 .LBB2_1-.Ltmp3, $4  }
0x1dc: {  	[hbm4b:s5+s8] =	stream.strided.scatter [tilespmem:s12], [sflag:$0x1], $0x200, s9, s8, $0x38;
	[tilespmem:$0x13200] =	vst v63  }
0x1dd: {  	_ =	swait.ge [sflag:s7], $0x200  }
0x1de: {  	[sflag:s7] =	ssyncset.done $0x0  }
0x1df: {  	[sflag:s7] =	ssyncadd.s32 $0xFFFFFE00  }
0x1e0: {  	_ =	sfence.sel $0x180000  }
0x1e1: {  	[bflag:$0x0] =	sbarrier.arrive $0xFFFF  }
0x1e2: {  	_ =	strace $0x90000047  }
0x1e3: {  	s0 =	stileid.u32;
	[bflag:$0x2] =	sbarrier.arrive $0xFFFF  }
0x1e4: {  	p0 =	sne.s32 s0, $0x0;
	s0 =	rddreg [dreg:$0x3]  }
0x1e5: {  	s0 =	sadd.s32 @!p0 $0x100000, s0  }
0x1e6: {  	[sflag:s0] =	ssyncadd.tile.s32 @!p0 $0x1;
	_ =	shalt  }
.Lfunc_end2:
_tile_overlayer_lowered:
.L_overlay_start_2:
0x1e7: {  	(tag) =	ssettag $0x2  }
0x1e8: {  	s0 =	rddreg [dreg:$0x0];
	s2 =	stileid.u32  }
0x1e9: {  	s1 =	rddreg [dreg:$0x1];
	p0 =	sne.s32 s2, $0x0  }
0x1ea: {  	s3 =	rddreg [dreg:$0x2];
	[bflag:$0x3] =	sbarrier.arrive $0xFFFF;
	s2 =	simm.s32 @!p0 $0x1C01  }
0x1eb: {  	[timem:s3], [sflag:s2] =	dma.local @!p0 [hbm:s0], s1  }
0x1ec: {  	s0 =	simm.s32 @!p0 $0x1  }
0x1ed: {  	_ =	swait.ge @!p0 [sflag:s0], s1  }
0x1ee: {  	s1 =	ssub.s32 @!p0 $0x0, s1;
	[sflag:s0] =	ssyncset.done @!p0 $0x0  }
0x1ef: {  	[sflag:s0] =	ssyncadd.s32 @!p0 s1  }
0x1f0: {  	[bflag:$0x3] =	sbarrier.arrive $0xFFFF  }
0x1f1: {  	_ =	shalt  }

</sc_bundles>
